<compile_context>
chip_gen: v7x
topology: tpu7x:2x2x1
jax: 0.10.2.dev20260603
libtpu: 0.0.44.dev20260713+nightly
codegen_flags: <defaults>
</compile_context>

<pallas_src>
import functools

import jax
import jax.numpy as jnp
from jax import lax
from jax.experimental import pallas as pl
from jax.experimental.pallas import tpu as pltpu
from jax.experimental.pallas import tpu_sc as plsc

E = 3_200_000
DIM = 16
NC, NS = 2, 16
NW = NC * NS
TILE = 128
NTILES = E // TILE
T = 25
CHUNK = T * TILE
NCHUNKS = NTILES // T
HALF = T * 1024
GROUPS = CHUNK // DIM

_mesh = plsc.VectorSubcoreMesh(core_axis_name="c", subcore_axis_name="s")


@functools.partial(
    pl.kernel,
    out_type=jax.ShapeDtypeStruct((E * DIM,), jnp.float32),
    mesh=_mesh,
    scratch_types=[
        pltpu.VMEM((2 * DIM,), jnp.float32),
        pltpu.VMEM((2, CHUNK), jnp.int32),
        pltpu.VMEM((2, 2 * HALF), jnp.float32),
        pltpu.SemaphoreType.DMA,
        pltpu.SemaphoreType.DMA,
    ],
    compiler_params=pltpu.CompilerParams(
        use_tc_tiling_on_sc=False, needs_layout_passes=False),
)
def _embed(mask_hbm, table_hbm, out_hbm, table_v, mask_v, rows_v, sem_in, sem_out):
    wid = lax.axis_index("s") * NC + lax.axis_index("c")
    nk = 31 + jnp.where(wid < 8, 1, 0).astype(jnp.int32)
    pltpu.sync_copy(table_hbm, table_v)
    t0 = table_v[pl.ds(0, DIM)]
    t1 = table_v[pl.ds(DIM, DIM)]
    s0 = [jnp.full((DIM,), t0[l], jnp.float32) for l in range(DIM)]
    s1 = [jnp.full((DIM,), t1[l], jnp.float32) for l in range(DIM)]

    def in_copy(k, slot):
        c = wid + NW * k
        return pltpu.async_copy(
            mask_hbm.at[pl.ds(c * CHUNK, CHUNK)], mask_v.at[slot], sem_in)

    def out_copy(k, slot):
        c = wid + NW * k
        for half in (0, 1):
            pltpu.async_copy(
                rows_v.at[slot, pl.ds(half * HALF, HALF)],
                out_hbm.at[pl.ds((half * NTILES + c * T) * 1024, HALF)],
                sem_out)

    def wait_in(slot):
        pltpu.make_async_copy(
            mask_hbm.at[pl.ds(0, CHUNK)], mask_v.at[slot], sem_in).wait()

    def wait_out(slot):
        for half in (0, 1):
            pltpu.make_async_copy(
                rows_v.at[slot, pl.ds(half * HALF, HALF)],
                out_hbm.at[pl.ds(half * HALF, HALF)], sem_out).wait()

    def compute(slot):
        rows = rows_v.at[slot]

        @plsc.parallel_loop(0, GROUPS, unroll=2)
        def _group(g):
            m = mask_v[slot, pl.ds(g * DIM, DIM)]
            p = m != 0
            base = (g // 8) * 1024 + (g % 8) * DIM
            for l in range(DIM):
                off = (l // 8) * HALF + (l % 8) * TILE + base
                rows[pl.ds(off, DIM)] = jnp.where(p, s1[l], s0[l])

    def step(k, slot):
        wait_in(slot)
        if isinstance(k, int):
            if k >= 2:
                wait_out(slot)
        else:
            @pl.when(k >= 2)
            def _():
                wait_out(slot)

        compute(slot)
        out_copy(k, slot)

        if not (isinstance(k, int) and k + 2 >= 32):
            @pl.when(k + 2 < nk)
            def _():
                in_copy(k + 2, slot)

    in_copy(0, 0)
    in_copy(1, 1)

    @pl.loop(0, 30, step=2)
    def _chunk(k):
        step(k, 0)
        step(k + 1, 1)

    step(30, 0)

    @pl.when(wid < 8)
    def _():
        step(31, 1)

    wait_out(0)
    wait_out(1)


def kernel(bond_mask, table):
    flat = _embed(bond_mask, jnp.reshape(table, (2 * DIM,)))
    return (flat.reshape(2, NTILES, 8, TILE)
                .transpose(1, 3, 0, 2)
                .reshape(E, DIM))

# --- scband reference (transcript-rebuilt; emitter-appended) ---
"""Pipeline reference for scband-bond-edge-embedder-56925496541983 (READ-ONLY COPY).

The authoritative reference and input builder live on the scoring server;
editing this copy changes nothing except your own understanding.
"""

import jax, jax.numpy as jnp
import numpy as np

E = 3200000
DIM = 16

def setup_inputs(seed: int = 0) -> dict:
    key = jax.random.key(seed)
    k1, k2 = jax.random.split(key)
    # bond_mask: binary indicator per edge (bonded vs not), values in {0, 1}
    bond_mask = jax.random.randint(k1, (E,), 0, 2, dtype=jnp.int32)
    # nn.Embedding(2, bonded_edge_attr_dim) weight table, N(0,1) init like torch
    table = jax.random.normal(k2, (2, DIM), dtype=jnp.float32)
    return {"bond_mask": bond_mask, "table": table}

def reference(bond_mask, table):
    # BondEdgeEmbedder.forward: self.bond_edge_embedder(topology['bond_mask'])
    # input_as_atom_graphs=False so topology is used directly.
    return jnp.take(table, bond_mask, axis=0)

if __name__ == "__main__":
    import jax
    _d = setup_inputs()
    print(jax.jit(kernel)(*tuple(_d.values())))

</pallas_src>

<mosaic_0001>
#map = affine_map<(d0, d1) -> (0)>
module attributes {stable_mosaic.version = 14 : i64} {
  func.func @_embed(%arg0: i32, %arg1: i32, %arg2: memref<3200000xi32, #tpu.memory_space<hbm>>, %arg3: memref<32xf32, #tpu.memory_space<hbm>>, %arg4: memref<51200000xf32, #tpu.memory_space<hbm>>, %arg5: memref<32xf32, #tpu.memory_space<vmem>>, %arg6: memref<2x3200xi32, #tpu.memory_space<vmem>>, %arg7: memref<2x51200xf32, #tpu.memory_space<vmem>>, %arg8: memref<!tpu.dma_semaphore, #tpu.memory_space<semaphore_mem>>, %arg9: memref<!tpu.dma_semaphore, #tpu.memory_space<semaphore_mem>>) attributes {dimension_semantics = [#tpu.dimension_semantics<core_parallel>, #tpu.dimension_semantics<subcore_parallel>], iteration_bounds = array<i64: 2, 16>, scalar_prefetch = 0 : i64, scratch_operands = 5 : i64, tpu.core_type = #tpu.core_type<sc_vector_subcore>, window_params = [{transform_indices = #map}, {transform_indices = #map}, {transform_indices = #map}]} {
    %mul3A = arith.constant 2 : i32
    %mul3A_0 = arith.muli %arg1, %mul3A : i32
    %add3A = arith.addi %mul3A_0, %arg0 : i32
    %lt3A = arith.constant 8 : i32
    %lt3A_1 = arith.cmpi slt, %add3A, %lt3A : i32
    %jit3A = arith.constant 1 : i32
    %jit3A_2 = arith.constant 0 : i32
    %select_n3A = arith.select %lt3A_1, %jit3A, %jit3A_2 : i32
    %add3A_3 = arith.constant 31 : i32
    %add3A_4 = arith.addi %add3A_3, %select_n3A : i32
    "tpu.region"() ({
      %run_scoped3A = tpu.sem_alloc : memref<!tpu.dma_semaphore, #tpu.memory_space<semaphore_mem>>
      tpu.enqueue_dma source(%arg3 : memref<32xf32, #tpu.memory_space<hbm>>) target(%arg5 : memref<32xf32, #tpu.memory_space<vmem>>) target_semaphore(%run_scoped3A : memref<!tpu.dma_semaphore, #tpu.memory_space<semaphore_mem>>)
      tpu.wait_dma2 semaphore(%run_scoped3A : memref<!tpu.dma_semaphore, #tpu.memory_space<semaphore_mem>>) src(%arg3 : memref<32xf32, #tpu.memory_space<hbm>>) dst(%arg5 : memref<32xf32, #tpu.memory_space<vmem>>)
      tpu.yield
    }) : () -> ()
    %get3A = arith.constant 0 : index
    %get3A_5 = tpu.vector_load %arg5[%get3A] {strides = array<i32>} : memref<32xf32, #tpu.memory_space<vmem>>, vector<16xf32>,
    %get3A_6 = arith.constant 16 : index
    %get3A_7 = tpu.vector_load %arg5[%get3A_6] {strides = array<i32>} : memref<32xf32, #tpu.memory_space<vmem>>, vector<16xf32>,
    %slice3A = vector.extract_strided_slice %get3A_5 {offsets = [0], sizes = [1], strides = [1]} : vector<16xf32> to vector<1xf32>
    %squeeze3A = vector.extract %slice3A[0] : f32 from vector<1xf32>
    %broadcast_in_dim3A = vector.broadcast %squeeze3A : f32 to vector<16xf32>
    %slice3A_8 = vector.extract_strided_slice %get3A_5 {offsets = [1], sizes = [1], strides = [1]} : vector<16xf32> to vector<1xf32>
    %squeeze3A_9 = vector.extract %slice3A_8[0] : f32 from vector<1xf32>
    %broadcast_in_dim3A_10 = vector.broadcast %squeeze3A_9 : f32 to vector<16xf32>
    %slice3A_11 = vector.extract_strided_slice %get3A_5 {offsets = [2], sizes = [1], strides = [1]} : vector<16xf32> to vector<1xf32>
    %squeeze3A_12 = vector.extract %slice3A_11[0] : f32 from vector<1xf32>
    %broadcast_in_dim3A_13 = vector.broadcast %squeeze3A_12 : f32 to vector<16xf32>
    %slice3A_14 = vector.extract_strided_slice %get3A_5 {offsets = [3], sizes = [1], strides = [1]} : vector<16xf32> to vector<1xf32>
    %squeeze3A_15 = vector.extract %slice3A_14[0] : f32 from vector<1xf32>
    %broadcast_in_dim3A_16 = vector.broadcast %squeeze3A_15 : f32 to vector<16xf32>
    %slice3A_17 = vector.extract_strided_slice %get3A_5 {offsets = [4], sizes = [1], strides = [1]} : vector<16xf32> to vector<1xf32>
    %squeeze3A_18 = vector.extract %slice3A_17[0] : f32 from vector<1xf32>
    %broadcast_in_dim3A_19 = vector.broadcast %squeeze3A_18 : f32 to vector<16xf32>
    %slice3A_20 = vector.extract_strided_slice %get3A_5 {offsets = [5], sizes = [1], strides = [1]} : vector<16xf32> to vector<1xf32>
    %squeeze3A_21 = vector.extract %slice3A_20[0] : f32 from vector<1xf32>
    %broadcast_in_dim3A_22 = vector.broadcast %squeeze3A_21 : f32 to vector<16xf32>
    %slice3A_23 = vector.extract_strided_slice %get3A_5 {offsets = [6], sizes = [1], strides = [1]} : vector<16xf32> to vector<1xf32>
    %squeeze3A_24 = vector.extract %slice3A_23[0] : f32 from vector<1xf32>
    %broadcast_in_dim3A_25 = vector.broadcast %squeeze3A_24 : f32 to vector<16xf32>
    %slice3A_26 = vector.extract_strided_slice %get3A_5 {offsets = [7], sizes = [1], strides = [1]} : vector<16xf32> to vector<1xf32>
    %squeeze3A_27 = vector.extract %slice3A_26[0] : f32 from vector<1xf32>
    %broadcast_in_dim3A_28 = vector.broadcast %squeeze3A_27 : f32 to vector<16xf32>
    %slice3A_29 = vector.extract_strided_slice %get3A_5 {offsets = [8], sizes = [1], strides = [1]} : vector<16xf32> to vector<1xf32>
    %squeeze3A_30 = vector.extract %slice3A_29[0] : f32 from vector<1xf32>
    %broadcast_in_dim3A_31 = vector.broadcast %squeeze3A_30 : f32 to vector<16xf32>
    %slice3A_32 = vector.extract_strided_slice %get3A_5 {offsets = [9], sizes = [1], strides = [1]} : vector<16xf32> to vector<1xf32>
    %squeeze3A_33 = vector.extract %slice3A_32[0] : f32 from vector<1xf32>
    %broadcast_in_dim3A_34 = vector.broadcast %squeeze3A_33 : f32 to vector<16xf32>
    %slice3A_35 = vector.extract_strided_slice %get3A_5 {offsets = [10], sizes = [1], strides = [1]} : vector<16xf32> to vector<1xf32>
    %squeeze3A_36 = vector.extract %slice3A_35[0] : f32 from vector<1xf32>
    %broadcast_in_dim3A_37 = vector.broadcast %squeeze3A_36 : f32 to vector<16xf32>
    %slice3A_38 = vector.extract_strided_slice %get3A_5 {offsets = [11], sizes = [1], strides = [1]} : vector<16xf32> to vector<1xf32>
    %squeeze3A_39 = vector.extract %slice3A_38[0] : f32 from vector<1xf32>
    %broadcast_in_dim3A_40 = vector.broadcast %squeeze3A_39 : f32 to vector<16xf32>
    %slice3A_41 = vector.extract_strided_slice %get3A_5 {offsets = [12], sizes = [1], strides = [1]} : vector<16xf32> to vector<1xf32>
    %squeeze3A_42 = vector.extract %slice3A_41[0] : f32 from vector<1xf32>
    %broadcast_in_dim3A_43 = vector.broadcast %squeeze3A_42 : f32 to vector<16xf32>
    %slice3A_44 = vector.extract_strided_slice %get3A_5 {offsets = [13], sizes = [1], strides = [1]} : vector<16xf32> to vector<1xf32>
    %squeeze3A_45 = vector.extract %slice3A_44[0] : f32 from vector<1xf32>
    %broadcast_in_dim3A_46 = vector.broadcast %squeeze3A_45 : f32 to vector<16xf32>
    %slice3A_47 = vector.extract_strided_slice %get3A_5 {offsets = [14], sizes = [1], strides = [1]} : vector<16xf32> to vector<1xf32>
    %squeeze3A_48 = vector.extract %slice3A_47[0] : f32 from vector<1xf32>
    %broadcast_in_dim3A_49 = vector.broadcast %squeeze3A_48 : f32 to vector<16xf32>
    %slice3A_50 = vector.extract_strided_slice %get3A_5 {offsets = [15], sizes = [1], strides = [1]} : vector<16xf32> to vector<1xf32>
    %squeeze3A_51 = vector.extract %slice3A_50[0] : f32 from vector<1xf32>
    %broadcast_in_dim3A_52 = vector.broadcast %squeeze3A_51 : f32 to vector<16xf32>
    %slice3A_53 = vector.extract_strided_slice %get3A_7 {offsets = [0], sizes = [1], strides = [1]} : vector<16xf32> to vector<1xf32>
    %squeeze3A_54 = vector.extract %slice3A_53[0] : f32 from vector<1xf32>
    %broadcast_in_dim3A_55 = vector.broadcast %squeeze3A_54 : f32 to vector<16xf32>
    %slice3A_56 = vector.extract_strided_slice %get3A_7 {offsets = [1], sizes = [1], strides = [1]} : vector<16xf32> to vector<1xf32>
    %squeeze3A_57 = vector.extract %slice3A_56[0] : f32 from vector<1xf32>
    %broadcast_in_dim3A_58 = vector.broadcast %squeeze3A_57 : f32 to vector<16xf32>
    %slice3A_59 = vector.extract_strided_slice %get3A_7 {offsets = [2], sizes = [1], strides = [1]} : vector<16xf32> to vector<1xf32>
    %squeeze3A_60 = vector.extract %slice3A_59[0] : f32 from vector<1xf32>
    %broadcast_in_dim3A_61 = vector.broadcast %squeeze3A_60 : f32 to vector<16xf32>
    %slice3A_62 = vector.extract_strided_slice %get3A_7 {offsets = [3], sizes = [1], strides = [1]} : vector<16xf32> to vector<1xf32>
    %squeeze3A_63 = vector.extract %slice3A_62[0] : f32 from vector<1xf32>
    %broadcast_in_dim3A_64 = vector.broadcast %squeeze3A_63 : f32 to vector<16xf32>
    %slice3A_65 = vector.extract_strided_slice %get3A_7 {offsets = [4], sizes = [1], strides = [1]} : vector<16xf32> to vector<1xf32>
    %squeeze3A_66 = vector.extract %slice3A_65[0] : f32 from vector<1xf32>
    %broadcast_in_dim3A_67 = vector.broadcast %squeeze3A_66 : f32 to vector<16xf32>
    %slice3A_68 = vector.extract_strided_slice %get3A_7 {offsets = [5], sizes = [1], strides = [1]} : vector<16xf32> to vector<1xf32>
    %squeeze3A_69 = vector.extract %slice3A_68[0] : f32 from vector<1xf32>
    %broadcast_in_dim3A_70 = vector.broadcast %squeeze3A_69 : f32 to vector<16xf32>
    %slice3A_71 = vector.extract_strided_slice %get3A_7 {offsets = [6], sizes = [1], strides = [1]} : vector<16xf32> to vector<1xf32>
    %squeeze3A_72 = vector.extract %slice3A_71[0] : f32 from vector<1xf32>
    %broadcast_in_dim3A_73 = vector.broadcast %squeeze3A_72 : f32 to vector<16xf32>
    %slice3A_74 = vector.extract_strided_slice %get3A_7 {offsets = [7], sizes = [1], strides = [1]} : vector<16xf32> to vector<1xf32>
    %squeeze3A_75 = vector.extract %slice3A_74[0] : f32 from vector<1xf32>
    %broadcast_in_dim3A_76 = vector.broadcast %squeeze3A_75 : f32 to vector<16xf32>
    %slice3A_77 = vector.extract_strided_slice %get3A_7 {offsets = [8], sizes = [1], strides = [1]} : vector<16xf32> to vector<1xf32>
    %squeeze3A_78 = vector.extract %slice3A_77[0] : f32 from vector<1xf32>
    %broadcast_in_dim3A_79 = vector.broadcast %squeeze3A_78 : f32 to vector<16xf32>
    %slice3A_80 = vector.extract_strided_slice %get3A_7 {offsets = [9], sizes = [1], strides = [1]} : vector<16xf32> to vector<1xf32>
    %squeeze3A_81 = vector.extract %slice3A_80[0] : f32 from vector<1xf32>
    %broadcast_in_dim3A_82 = vector.broadcast %squeeze3A_81 : f32 to vector<16xf32>
    %slice3A_83 = vector.extract_strided_slice %get3A_7 {offsets = [10], sizes = [1], strides = [1]} : vector<16xf32> to vector<1xf32>
    %squeeze3A_84 = vector.extract %slice3A_83[0] : f32 from vector<1xf32>
    %broadcast_in_dim3A_85 = vector.broadcast %squeeze3A_84 : f32 to vector<16xf32>
    %slice3A_86 = vector.extract_strided_slice %get3A_7 {offsets = [11], sizes = [1], strides = [1]} : vector<16xf32> to vector<1xf32>
    %squeeze3A_87 = vector.extract %slice3A_86[0] : f32 from vector<1xf32>
    %broadcast_in_dim3A_88 = vector.broadcast %squeeze3A_87 : f32 to vector<16xf32>
    %slice3A_89 = vector.extract_strided_slice %get3A_7 {offsets = [12], sizes = [1], strides = [1]} : vector<16xf32> to vector<1xf32>
    %squeeze3A_90 = vector.extract %slice3A_89[0] : f32 from vector<1xf32>
    %broadcast_in_dim3A_91 = vector.broadcast %squeeze3A_90 : f32 to vector<16xf32>
    %slice3A_92 = vector.extract_strided_slice %get3A_7 {offsets = [13], sizes = [1], strides = [1]} : vector<16xf32> to vector<1xf32>
    %squeeze3A_93 = vector.extract %slice3A_92[0] : f32 from vector<1xf32>
    %broadcast_in_dim3A_94 = vector.broadcast %squeeze3A_93 : f32 to vector<16xf32>
    %slice3A_95 = vector.extract_strided_slice %get3A_7 {offsets = [14], sizes = [1], strides = [1]} : vector<16xf32> to vector<1xf32>
    %squeeze3A_96 = vector.extract %slice3A_95[0] : f32 from vector<1xf32>
    %broadcast_in_dim3A_97 = vector.broadcast %squeeze3A_96 : f32 to vector<16xf32>
    %slice3A_98 = vector.extract_strided_slice %get3A_7 {offsets = [15], sizes = [1], strides = [1]} : vector<16xf32> to vector<1xf32>
    %squeeze3A_99 = vector.extract %slice3A_98[0] : f32 from vector<1xf32>
    %broadcast_in_dim3A_100 = vector.broadcast %squeeze3A_99 : f32 to vector<16xf32>
    %add3A_101 = arith.constant 0 : i32
    %add3A_102 = arith.addi %add3A, %add3A_101 : i32
    %mul3A_103 = arith.constant 3200 : i32
    %mul3A_104 = arith.muli %add3A_102, %mul3A_103 : i32
    %dma_start3A = arith.constant 0 : i32
    %dma_start3A_105 = arith.constant 0 : i32
    %dma_start3A_106 = tpu.memref_slice %arg6[%dma_start3A, %dma_start3A_105] : memref<2x3200xi32, #tpu.memory_space<vmem>> -> memref<1x3200xi32, #tpu.memory_space<vmem>>
    %dma_start3A_107 = tpu.memref_squeeze %dma_start3A_106 : memref<1x3200xi32, #tpu.memory_space<vmem>> -> memref<3200xi32, #tpu.memory_space<vmem>>
    %dma_start3A_108 = tpu.memref_slice %arg2[%mul3A_104] : memref<3200000xi32, #tpu.memory_space<hbm>> -> memref<3200xi32, #tpu.memory_space<hbm>>
    %dma_start3A_109 = arith.constant 0 : i32
    %dma_start3A_110 = tpu.memref_slice %arg6[%dma_start3A, %dma_start3A_109] : memref<2x3200xi32, #tpu.memory_space<vmem>> -> memref<1x3200xi32, #tpu.memory_space<vmem>>
    %dma_start3A_111 = tpu.memref_squeeze %dma_start3A_110 : memref<1x3200xi32, #tpu.memory_space<vmem>> -> memref<3200xi32, #tpu.memory_space<vmem>>
    %dma_start3A_112 = tpu.memref_slice %arg2[%mul3A_104] : memref<3200000xi32, #tpu.memory_space<hbm>> -> memref<3200xi32, #tpu.memory_space<hbm>>
    tpu.enqueue_dma source(%dma_start3A_112 : memref<3200xi32, #tpu.memory_space<hbm>>) target(%dma_start3A_111 : memref<3200xi32, #tpu.memory_space<vmem>>) target_semaphore(%arg8 : memref<!tpu.dma_semaphore, #tpu.memory_space<semaphore_mem>>)
    %add3A_113 = arith.constant 32 : i32
    %add3A_114 = arith.addi %add3A, %add3A_113 : i32
    %mul3A_115 = arith.constant 3200 : i32
    %mul3A_116 = arith.muli %add3A_114, %mul3A_115 : i32
    %dma_start3A_117 = arith.constant 1 : i32
    %dma_start3A_118 = arith.constant 0 : i32
    %dma_start3A_119 = tpu.memref_slice %arg6[%dma_start3A_117, %dma_start3A_118] : memref<2x3200xi32, #tpu.memory_space<vmem>> -> memref<1x3200xi32, #tpu.memory_space<vmem>>
    %dma_start3A_120 = tpu.memref_squeeze %dma_start3A_119 : memref<1x3200xi32, #tpu.memory_space<vmem>> -> memref<3200xi32, #tpu.memory_space<vmem>>
    %dma_start3A_121 = tpu.memref_slice %arg2[%mul3A_116] : memref<3200000xi32, #tpu.memory_space<hbm>> -> memref<3200xi32, #tpu.memory_space<hbm>>
    %dma_start3A_122 = arith.constant 0 : i32
    %dma_start3A_123 = tpu.memref_slice %arg6[%dma_start3A_117, %dma_start3A_122] : memref<2x3200xi32, #tpu.memory_space<vmem>> -> memref<1x3200xi32, #tpu.memory_space<vmem>>
    %dma_start3A_124 = tpu.memref_squeeze %dma_start3A_123 : memref<1x3200xi32, #tpu.memory_space<vmem>> -> memref<3200xi32, #tpu.memory_space<vmem>>
    %dma_start3A_125 = tpu.memref_slice %arg2[%mul3A_116] : memref<3200000xi32, #tpu.memory_space<hbm>> -> memref<3200xi32, #tpu.memory_space<hbm>>
    tpu.enqueue_dma source(%dma_start3A_125 : memref<3200xi32, #tpu.memory_space<hbm>>) target(%dma_start3A_124 : memref<3200xi32, #tpu.memory_space<vmem>>) target_semaphore(%arg8 : memref<!tpu.dma_semaphore, #tpu.memory_space<semaphore_mem>>)
    %scan3A = arith.constant 0 : i32
    %scan3A_126 = arith.constant 15 : i32
    %scan3A_127 = arith.addi %scan3A, %scan3A_126 : i32
    %scan3A_128 = arith.constant 1 : i32
    scf.for %scan3A_244 = %scan3A to %scan3A_127 step %scan3A_128  : i32 {
      %mul3A_245 = arith.constant 2 : i32
      %mul3A_246 = arith.muli %scan3A_244, %mul3A_245 : i32
      %add3A_247 = arith.constant 0 : i32
      %add3A_248 = arith.addi %add3A_247, %mul3A_246 : i32
      %dma_wait3A_249 = arith.constant 0 : i32
      %dma_wait3A_250 = arith.constant 0 : i32
      %dma_wait3A_251 = tpu.memref_slice %arg6[%dma_wait3A_249, %dma_wait3A_250] : memref<2x3200xi32, #tpu.memory_space<vmem>> -> memref<1x3200xi32, #tpu.memory_space<vmem>>
      %dma_wait3A_252 = tpu.memref_squeeze %dma_wait3A_251 : memref<1x3200xi32, #tpu.memory_space<vmem>> -> memref<3200xi32, #tpu.memory_space<vmem>>
      %dma_wait3A_253 = arith.constant 0 : i32
      %dma_wait3A_254 = tpu.memref_slice %arg2[%dma_wait3A_253] : memref<3200000xi32, #tpu.memory_space<hbm>> -> memref<3200xi32, #tpu.memory_space<hbm>>
      %dma_wait3A_255 = arith.constant 0 : i32
      %dma_wait3A_256 = tpu.memref_slice %arg6[%dma_wait3A_249, %dma_wait3A_255] : memref<2x3200xi32, #tpu.memory_space<vmem>> -> memref<1x3200xi32, #tpu.memory_space<vmem>>
      %dma_wait3A_257 = tpu.memref_squeeze %dma_wait3A_256 : memref<1x3200xi32, #tpu.memory_space<vmem>> -> memref<3200xi32, #tpu.memory_space<vmem>>
      %dma_wait3A_258 = arith.constant 0 : i32
      %dma_wait3A_259 = tpu.memref_slice %arg2[%dma_wait3A_258] : memref<3200000xi32, #tpu.memory_space<hbm>> -> memref<3200xi32, #tpu.memory_space<hbm>>
      tpu.wait_dma2 semaphore(%arg8 : memref<!tpu.dma_semaphore, #tpu.memory_space<semaphore_mem>>) src(%dma_wait3A_259 : memref<3200xi32, #tpu.memory_space<hbm>>) dst(%dma_wait3A_257 : memref<3200xi32, #tpu.memory_space<vmem>>)
      %ge3A = arith.constant 2 : i32
      %ge3A_260 = arith.cmpi sge, %add3A_248, %ge3A : i32
      %convert_element_type3A_261 = arith.extui %ge3A_260 : i1 to i32
      %cond3A_262 = arith.constant 0 : i32
      %cond3A_263 = arith.cmpi ne, %convert_element_type3A_261, %cond3A_262 : i32
      scf.if %cond3A_263 {
        %dma_wait3A_368 = arith.constant 0 : i32
        %dma_wait3A_369 = arith.constant 0 : i32
        %dma_wait3A_370 = tpu.memref_slice %arg7[%dma_wait3A_368, %dma_wait3A_369] : memref<2x51200xf32, #tpu.memory_space<vmem>> -> memref<1x25600xf32, #tpu.memory_space<vmem>>
        %dma_wait3A_371 = tpu.memref_squeeze %dma_wait3A_370 : memref<1x25600xf32, #tpu.memory_space<vmem>> -> memref<25600xf32, #tpu.memory_space<vmem>>
        %dma_wait3A_372 = arith.constant 0 : i32
        %dma_wait3A_373 = tpu.memref_slice %arg4[%dma_wait3A_372] : memref<51200000xf32, #tpu.memory_space<hbm>> -> memref<25600xf32, #tpu.memory_space<hbm>>
        %dma_wait3A_374 = arith.constant 0 : i32
        %dma_wait3A_375 = tpu.memref_slice %arg4[%dma_wait3A_374] : memref<51200000xf32, #tpu.memory_space<hbm>> -> memref<25600xf32, #tpu.memory_space<hbm>>
        %dma_wait3A_376 = arith.constant 0 : i32
        %dma_wait3A_377 = tpu.memref_slice %arg7[%dma_wait3A_368, %dma_wait3A_376] : memref<2x51200xf32, #tpu.memory_space<vmem>> -> memref<1x25600xf32, #tpu.memory_space<vmem>>
        %dma_wait3A_378 = tpu.memref_squeeze %dma_wait3A_377 : memref<1x25600xf32, #tpu.memory_space<vmem>> -> memref<25600xf32, #tpu.memory_space<vmem>>
        tpu.wait_dma2 semaphore(%arg9 : memref<!tpu.dma_semaphore, #tpu.memory_space<semaphore_mem>>) src(%dma_wait3A_378 : memref<25600xf32, #tpu.memory_space<vmem>>) dst(%dma_wait3A_375 : memref<25600xf32, #tpu.memory_space<hbm>>)
        %dma_wait3A_379 = arith.constant 0 : i32
        %dma_wait3A_380 = arith.constant 25600 : i32
        %dma_wait3A_381 = tpu.memref_slice %arg7[%dma_wait3A_379, %dma_wait3A_380] : memref<2x51200xf32, #tpu.memory_space<vmem>> -> memref<1x25600xf32, #tpu.memory_space<vmem>>
        %dma_wait3A_382 = tpu.memref_squeeze %dma_wait3A_381 : memref<1x25600xf32, #tpu.memory_space<vmem>> -> memref<25600xf32, #tpu.memory_space<vmem>>
        %dma_wait3A_383 = arith.constant 25600 : i32
        %dma_wait3A_384 = tpu.memref_slice %arg4[%dma_wait3A_383] : memref<51200000xf32, #tpu.memory_space<hbm>> -> memref<25600xf32, #tpu.memory_space<hbm>>
        %dma_wait3A_385 = arith.constant 25600 : i32
        %dma_wait3A_386 = tpu.memref_slice %arg4[%dma_wait3A_385] : memref<51200000xf32, #tpu.memory_space<hbm>> -> memref<25600xf32, #tpu.memory_space<hbm>>
        %dma_wait3A_387 = arith.constant 25600 : i32
        %dma_wait3A_388 = tpu.memref_slice %arg7[%dma_wait3A_379, %dma_wait3A_387] : memref<2x51200xf32, #tpu.memory_space<vmem>> -> memref<1x25600xf32, #tpu.memory_space<vmem>>
        %dma_wait3A_389 = tpu.memref_squeeze %dma_wait3A_388 : memref<1x25600xf32, #tpu.memory_space<vmem>> -> memref<25600xf32, #tpu.memory_space<vmem>>
        tpu.wait_dma2 semaphore(%arg9 : memref<!tpu.dma_semaphore, #tpu.memory_space<semaphore_mem>>) src(%dma_wait3A_389 : memref<25600xf32, #tpu.memory_space<vmem>>) dst(%dma_wait3A_386 : memref<25600xf32, #tpu.memory_space<hbm>>)
      } else {
      }
      %parallel_loop3A_264 = arith.constant 0 : i32
      %parallel_loop3A_265 = arith.constant 200 : i32
      %parallel_loop3A_266 = arith.constant 1 : i32
      %parallel_loop3A_267 = arith.constant 0 : i32
      scf.for %parallel_loop3A_368 = %parallel_loop3A_264 to %parallel_loop3A_265 step %parallel_loop3A_266  : i32 {
        %parallel_loop3A_369 = arith.constant 16 : i32
        %parallel_loop3A_370 = arith.muli %parallel_loop3A_368, %parallel_loop3A_369 : i32
        %parallel_loop3A_371 = arith.constant 0 : i32
        %parallel_loop3A_372 = arith.index_cast %parallel_loop3A_371 : i32 to index
        %parallel_loop3A_373 = arith.index_cast %parallel_loop3A_370 : i32 to index
        %parallel_loop3A_374 = tpu.vector_load %arg6[%parallel_loop3A_372, %parallel_loop3A_373] {strides = array<i32>} : memref<2x3200xi32, #tpu.memory_space<vmem>>, vector<16xi32>,
        %parallel_loop3A_375 = arith.constant 0 : i32
        %parallel_loop3A_376 = vector.broadcast %parallel_loop3A_375 : i32 to vector<16xi32>
        %parallel_loop3A_377 = arith.cmpi ne, %parallel_loop3A_374, %parallel_loop3A_376 : vector<16xi32>
        %parallel_loop3A_378 = arith.constant 8 : i32
        %parallel_loop3A_379 = arith.divsi %parallel_loop3A_368, %parallel_loop3A_378 : i32
        %parallel_loop3A_380 = arith.constant 0 : i32
        %parallel_loop3A_381 = arith.cmpi sgt, %parallel_loop3A_368, %parallel_loop3A_380 : i32
        %parallel_loop3A_382 = arith.extui %parallel_loop3A_381 : i1 to i32
        %parallel_loop3A_383 = arith.constant 0 : i32
        %parallel_loop3A_384 = arith.cmpi slt, %parallel_loop3A_368, %parallel_loop3A_383 : i32
        %parallel_loop3A_385 = arith.extui %parallel_loop3A_384 : i1 to i32
        %parallel_loop3A_386 = arith.subi %parallel_loop3A_382, %parallel_loop3A_385 : i32
        %parallel_loop3A_387 = arith.constant 0 : i32
        %parallel_loop3A_388 = arith.cmpi sgt, %parallel_loop3A_378, %parallel_loop3A_387 : i32
        %parallel_loop3A_389 = arith.extui %parallel_loop3A_388 : i1 to i32
        %parallel_loop3A_390 = arith.constant 0 : i32
        %parallel_loop3A_391 = arith.cmpi slt, %parallel_loop3A_378, %parallel_loop3A_390 : i32
        %parallel_loop3A_392 = arith.extui %parallel_loop3A_391 : i1 to i32
        %parallel_loop3A_393 = arith.subi %parallel_loop3A_389, %parallel_loop3A_392 : i32
        %parallel_loop3A_394 = arith.cmpi ne, %parallel_loop3A_386, %parallel_loop3A_393 : i32
        %parallel_loop3A_395 = arith.remsi %parallel_loop3A_368, %parallel_loop3A_378 : i32
        %parallel_loop3A_396 = arith.constant 0 : i32
        %parallel_loop3A_397 = arith.cmpi ne, %parallel_loop3A_395, %parallel_loop3A_396 : i32
        %parallel_loop3A_398 = arith.andi %parallel_loop3A_394, %parallel_loop3A_397 : i1
        %parallel_loop3A_399 = arith.constant 1 : i32
        %parallel_loop3A_400 = arith.subi %parallel_loop3A_379, %parallel_loop3A_399 : i32
        %parallel_loop3A_401 = arith.select %parallel_loop3A_398, %parallel_loop3A_400, %parallel_loop3A_379 : i32
        %parallel_loop3A_402 = arith.constant 1024 : i32
        %parallel_loop3A_403 = arith.muli %parallel_loop3A_401, %parallel_loop3A_402 : i32
        %parallel_loop3A_404 = arith.constant 8 : i32
        %parallel_loop3A_405 = arith.constant 0 : i32
        %parallel_loop3A_406 = arith.cmpi eq, %parallel_loop3A_404, %parallel_loop3A_405 : i32
        %parallel_loop3A_407 = arith.constant 1 : i32
        %parallel_loop3A_408 = arith.select %parallel_loop3A_406, %parallel_loop3A_407, %parallel_loop3A_404 : i32
        %parallel_loop3A_409 = arith.remsi %parallel_loop3A_368, %parallel_loop3A_408 : i32
        %parallel_loop3A_410 = arith.constant 0 : i32
        %parallel_loop3A_411 = arith.cmpi ne, %parallel_loop3A_409, %parallel_loop3A_410 : i32
        %parallel_loop3A_412 = arith.constant 0 : i32
        %parallel_loop3A_413 = arith.cmpi slt, %parallel_loop3A_409, %parallel_loop3A_412 : i32
        %parallel_loop3A_414 = arith.constant 0 : i32
        %parallel_loop3A_415 = arith.cmpi slt, %parallel_loop3A_408, %parallel_loop3A_414 : i32
        %parallel_loop3A_416 = arith.xori %parallel_loop3A_413, %parallel_loop3A_415 : i1
        %parallel_loop3A_417 = arith.andi %parallel_loop3A_416, %parallel_loop3A_411 : i1
        %parallel_loop3A_418 = arith.addi %parallel_loop3A_409, %parallel_loop3A_408 : i32
        %parallel_loop3A_419 = arith.select %parallel_loop3A_417, %parallel_loop3A_418, %parallel_loop3A_409 : i32
        %parallel_loop3A_420 = arith.constant 16 : i32
        %parallel_loop3A_421 = arith.muli %parallel_loop3A_419, %parallel_loop3A_420 : i32
        %parallel_loop3A_422 = arith.addi %parallel_loop3A_403, %parallel_loop3A_421 : i32
        %parallel_loop3A_423 = arith.constant 0 : i32
        %parallel_loop3A_424 = arith.addi %parallel_loop3A_423, %parallel_loop3A_422 : i32
        %parallel_loop3A_425 = arith.select %parallel_loop3A_377, %broadcast_in_dim3A_55, %broadcast_in_dim3A : vector<16xi1>, vector<16xf32>
        %parallel_loop3A_426 = arith.constant 0 : i32
        %parallel_loop3A_427 = tpu.memref_slice %arg7[%parallel_loop3A_267, %parallel_loop3A_426] : memref<2x51200xf32, #tpu.memory_space<vmem>> -> memref<1x51200xf32, #tpu.memory_space<vmem>>
        %parallel_loop3A_428 = tpu.memref_squeeze %parallel_loop3A_427 : memref<1x51200xf32, #tpu.memory_space<vmem>> -> memref<51200xf32, #tpu.memory_space<vmem>>
        %parallel_loop3A_429 = arith.index_cast %parallel_loop3A_424 : i32 to index
        %parallel_loop3A_430 = tpu.vector_load %parallel_loop3A_428[%parallel_loop3A_429] {strides = array<i32>} : memref<51200xf32, #tpu.memory_space<vmem>>, vector<16xf32>,
        tpu.vector_store %parallel_loop3A_428[%parallel_loop3A_429], %parallel_loop3A_425 {strides = array<i32>} : memref<51200xf32, #tpu.memory_space<vmem>>, vector<16xf32>,
        %parallel_loop3A_431 = arith.constant 128 : i32
        %parallel_loop3A_432 = arith.addi %parallel_loop3A_431, %parallel_loop3A_422 : i32
        %parallel_loop3A_433 = arith.select %parallel_loop3A_377, %broadcast_in_dim3A_58, %broadcast_in_dim3A_10 : vector<16xi1>, vector<16xf32>
        %parallel_loop3A_434 = arith.constant 0 : i32
        %parallel_loop3A_435 = tpu.memref_slice %arg7[%parallel_loop3A_267, %parallel_loop3A_434] : memref<2x51200xf32, #tpu.memory_space<vmem>> -> memref<1x51200xf32, #tpu.memory_space<vmem>>
        %parallel_loop3A_436 = tpu.memref_squeeze %parallel_loop3A_435 : memref<1x51200xf32, #tpu.memory_space<vmem>> -> memref<51200xf32, #tpu.memory_space<vmem>>
        %parallel_loop3A_437 = arith.index_cast %parallel_loop3A_432 : i32 to index
        %parallel_loop3A_438 = tpu.vector_load %parallel_loop3A_436[%parallel_loop3A_437] {strides = array<i32>} : memref<51200xf32, #tpu.memory_space<vmem>>, vector<16xf32>,
        tpu.vector_store %parallel_loop3A_436[%parallel_loop3A_437], %parallel_loop3A_433 {strides = array<i32>} : memref<51200xf32, #tpu.memory_space<vmem>>, vector<16xf32>,
        %parallel_loop3A_439 = arith.constant 256 : i32
        %parallel_loop3A_440 = arith.addi %parallel_loop3A_439, %parallel_loop3A_422 : i32
        %parallel_loop3A_441 = arith.select %parallel_loop3A_377, %broadcast_in_dim3A_61, %broadcast_in_dim3A_13 : vector<16xi1>, vector<16xf32>
        %parallel_loop3A_442 = arith.constant 0 : i32
        %parallel_loop3A_443 = tpu.memref_slice %arg7[%parallel_loop3A_267, %parallel_loop3A_442] : memref<2x51200xf32, #tpu.memory_space<vmem>> -> memref<1x51200xf32, #tpu.memory_space<vmem>>
        %parallel_loop3A_444 = tpu.memref_squeeze %parallel_loop3A_443 : memref<1x51200xf32, #tpu.memory_space<vmem>> -> memref<51200xf32, #tpu.memory_space<vmem>>
        %parallel_loop3A_445 = arith.index_cast %parallel_loop3A_440 : i32 to index
        %parallel_loop3A_446 = tpu.vector_load %parallel_loop3A_444[%parallel_loop3A_445] {strides = array<i32>} : memref<51200xf32, #tpu.memory_space<vmem>>, vector<16xf32>,
        tpu.vector_store %parallel_loop3A_444[%parallel_loop3A_445], %parallel_loop3A_441 {strides = array<i32>} : memref<51200xf32, #tpu.memory_space<vmem>>, vector<16xf32>,
        %parallel_loop3A_447 = arith.constant 384 : i32
        %parallel_loop3A_448 = arith.addi %parallel_loop3A_447, %parallel_loop3A_422 : i32
        %parallel_loop3A_449 = arith.select %parallel_loop3A_377, %broadcast_in_dim3A_64, %broadcast_in_dim3A_16 : vector<16xi1>, vector<16xf32>
        %parallel_loop3A_450 = arith.constant 0 : i32
        %parallel_loop3A_451 = tpu.memref_slice %arg7[%parallel_loop3A_267, %parallel_loop3A_450] : memref<2x51200xf32, #tpu.memory_space<vmem>> -> memref<1x51200xf32, #tpu.memory_space<vmem>>
        %parallel_loop3A_452 = tpu.memref_squeeze %parallel_loop3A_451 : memref<1x51200xf32, #tpu.memory_space<vmem>> -> memref<51200xf32, #tpu.memory_space<vmem>>
        %parallel_loop3A_453 = arith.index_cast %parallel_loop3A_448 : i32 to index
        %parallel_loop3A_454 = tpu.vector_load %parallel_loop3A_452[%parallel_loop3A_453] {strides = array<i32>} : memref<51200xf32, #tpu.memory_space<vmem>>, vector<16xf32>,
        tpu.vector_store %parallel_loop3A_452[%parallel_loop3A_453], %parallel_loop3A_449 {strides = array<i32>} : memref<51200xf32, #tpu.memory_space<vmem>>, vector<16xf32>,
        %parallel_loop3A_455 = arith.constant 512 : i32
        %parallel_loop3A_456 = arith.addi %parallel_loop3A_455, %parallel_loop3A_422 : i32
        %parallel_loop3A_457 = arith.select %parallel_loop3A_377, %broadcast_in_dim3A_67, %broadcast_in_dim3A_19 : vector<16xi1>, vector<16xf32>
        %parallel_loop3A_458 = arith.constant 0 : i32
        %parallel_loop3A_459 = tpu.memref_slice %arg7[%parallel_loop3A_267, %parallel_loop3A_458] : memref<2x51200xf32, #tpu.memory_space<vmem>> -> memref<1x51200xf32, #tpu.memory_space<vmem>>
        %parallel_loop3A_460 = tpu.memref_squeeze %parallel_loop3A_459 : memref<1x51200xf32, #tpu.memory_space<vmem>> -> memref<51200xf32, #tpu.memory_space<vmem>>
        %parallel_loop3A_461 = arith.index_cast %parallel_loop3A_456 : i32 to index
        %parallel_loop3A_462 = tpu.vector_load %parallel_loop3A_460[%parallel_loop3A_461] {strides = array<i32>} : memref<51200xf32, #tpu.memory_space<vmem>>, vector<16xf32>,
        tpu.vector_store %parallel_loop3A_460[%parallel_loop3A_461], %parallel_loop3A_457 {strides = array<i32>} : memref<51200xf32, #tpu.memory_space<vmem>>, vector<16xf32>,
        %parallel_loop3A_463 = arith.constant 640 : i32
        %parallel_loop3A_464 = arith.addi %parallel_loop3A_463, %parallel_loop3A_422 : i32
        %parallel_loop3A_465 = arith.select %parallel_loop3A_377, %broadcast_in_dim3A_70, %broadcast_in_dim3A_22 : vector<16xi1>, vector<16xf32>
        %parallel_loop3A_466 = arith.constant 0 : i32
        %parallel_loop3A_467 = tpu.memref_slice %arg7[%parallel_loop3A_267, %parallel_loop3A_466] : memref<2x51200xf32, #tpu.memory_space<vmem>> -> memref<1x51200xf32, #tpu.memory_space<vmem>>
        %parallel_loop3A_468 = tpu.memref_squeeze %parallel_loop3A_467 : memref<1x51200xf32, #tpu.memory_space<vmem>> -> memref<51200xf32, #tpu.memory_space<vmem>>
        %parallel_loop3A_469 = arith.index_cast %parallel_loop3A_464 : i32 to index
        %parallel_loop3A_470 = tpu.vector_load %parallel_loop3A_468[%parallel_loop3A_469] {strides = array<i32>} : memref<51200xf32, #tpu.memory_space<vmem>>, vector<16xf32>,
        tpu.vector_store %parallel_loop3A_468[%parallel_loop3A_469], %parallel_loop3A_465 {strides = array<i32>} : memref<51200xf32, #tpu.memory_space<vmem>>, vector<16xf32>,
        %parallel_loop3A_471 = arith.constant 768 : i32
        %parallel_loop3A_472 = arith.addi %parallel_loop3A_471, %parallel_loop3A_422 : i32
        %parallel_loop3A_473 = arith.select %parallel_loop3A_377, %broadcast_in_dim3A_73, %broadcast_in_dim3A_25 : vector<16xi1>, vector<16xf32>
        %parallel_loop3A_474 = arith.constant 0 : i32
        %parallel_loop3A_475 = tpu.memref_slice %arg7[%parallel_loop3A_267, %parallel_loop3A_474] : memref<2x51200xf32, #tpu.memory_space<vmem>> -> memref<1x51200xf32, #tpu.memory_space<vmem>>
        %parallel_loop3A_476 = tpu.memref_squeeze %parallel_loop3A_475 : memref<1x51200xf32, #tpu.memory_space<vmem>> -> memref<51200xf32, #tpu.memory_space<vmem>>
        %parallel_loop3A_477 = arith.index_cast %parallel_loop3A_472 : i32 to index
        %parallel_loop3A_478 = tpu.vector_load %parallel_loop3A_476[%parallel_loop3A_477] {strides = array<i32>} : memref<51200xf32, #tpu.memory_space<vmem>>, vector<16xf32>,
        tpu.vector_store %parallel_loop3A_476[%parallel_loop3A_477], %parallel_loop3A_473 {strides = array<i32>} : memref<51200xf32, #tpu.memory_space<vmem>>, vector<16xf32>,
        %parallel_loop3A_479 = arith.constant 896 : i32
        %parallel_loop3A_480 = arith.addi %parallel_loop3A_479, %parallel_loop3A_422 : i32
        %parallel_loop3A_481 = arith.select %parallel_loop3A_377, %broadcast_in_dim3A_76, %broadcast_in_dim3A_28 : vector<16xi1>, vector<16xf32>
        %parallel_loop3A_482 = arith.constant 0 : i32
        %parallel_loop3A_483 = tpu.memref_slice %arg7[%parallel_loop3A_267, %parallel_loop3A_482] : memref<2x51200xf32, #tpu.memory_space<vmem>> -> memref<1x51200xf32, #tpu.memory_space<vmem>>
        %parallel_loop3A_484 = tpu.memref_squeeze %parallel_loop3A_483 : memref<1x51200xf32, #tpu.memory_space<vmem>> -> memref<51200xf32, #tpu.memory_space<vmem>>
        %parallel_loop3A_485 = arith.index_cast %parallel_loop3A_480 : i32 to index
        %parallel_loop3A_486 = tpu.vector_load %parallel_loop3A_484[%parallel_loop3A_485] {strides = array<i32>} : memref<51200xf32, #tpu.memory_space<vmem>>, vector<16xf32>,
        tpu.vector_store %parallel_loop3A_484[%parallel_loop3A_485], %parallel_loop3A_481 {strides = array<i32>} : memref<51200xf32, #tpu.memory_space<vmem>>, vector<16xf32>,
        %parallel_loop3A_487 = arith.constant 25600 : i32
        %parallel_loop3A_488 = arith.addi %parallel_loop3A_487, %parallel_loop3A_422 : i32
        %parallel_loop3A_489 = arith.select %parallel_loop3A_377, %broadcast_in_dim3A_79, %broadcast_in_dim3A_31 : vector<16xi1>, vector<16xf32>
        %parallel_loop3A_490 = arith.constant 0 : i32
        %parallel_loop3A_491 = tpu.memref_slice %arg7[%parallel_loop3A_267, %parallel_loop3A_490] : memref<2x51200xf32, #tpu.memory_space<vmem>> -> memref<1x51200xf32, #tpu.memory_space<vmem>>
        %parallel_loop3A_492 = tpu.memref_squeeze %parallel_loop3A_491 : memref<1x51200xf32, #tpu.memory_space<vmem>> -> memref<51200xf32, #tpu.memory_space<vmem>>
        %parallel_loop3A_493 = arith.index_cast %parallel_loop3A_488 : i32 to index
        %parallel_loop3A_494 = tpu.vector_load %parallel_loop3A_492[%parallel_loop3A_493] {strides = array<i32>} : memref<51200xf32, #tpu.memory_space<vmem>>, vector<16xf32>,
        tpu.vector_store %parallel_loop3A_492[%parallel_loop3A_493], %parallel_loop3A_489 {strides = array<i32>} : memref<51200xf32, #tpu.memory_space<vmem>>, vector<16xf32>,
        %parallel_loop3A_495 = arith.constant 25728 : i32
        %parallel_loop3A_496 = arith.addi %parallel_loop3A_495, %parallel_loop3A_422 : i32
        %parallel_loop3A_497 = arith.select %parallel_loop3A_377, %broadcast_in_dim3A_82, %broadcast_in_dim3A_34 : vector<16xi1>, vector<16xf32>
        %parallel_loop3A_498 = arith.constant 0 : i32
        %parallel_loop3A_499 = tpu.memref_slice %arg7[%parallel_loop3A_267, %parallel_loop3A_498] : memref<2x51200xf32, #tpu.memory_space<vmem>> -> memref<1x51200xf32, #tpu.memory_space<vmem>>
        %parallel_loop3A_500 = tpu.memref_squeeze %parallel_loop3A_499 : memref<1x51200xf32, #tpu.memory_space<vmem>> -> memref<51200xf32, #tpu.memory_space<vmem>>
        %parallel_loop3A_501 = arith.index_cast %parallel_loop3A_496 : i32 to index
        %parallel_loop3A_502 = tpu.vector_load %parallel_loop3A_500[%parallel_loop3A_501] {strides = array<i32>} : memref<51200xf32, #tpu.memory_space<vmem>>, vector<16xf32>,
        tpu.vector_store %parallel_loop3A_500[%parallel_loop3A_501], %parallel_loop3A_497 {strides = array<i32>} : memref<51200xf32, #tpu.memory_space<vmem>>, vector<16xf32>,
        %parallel_loop3A_503 = arith.constant 25856 : i32
        %parallel_loop3A_504 = arith.addi %parallel_loop3A_503, %parallel_loop3A_422 : i32
        %parallel_loop3A_505 = arith.select %parallel_loop3A_377, %broadcast_in_dim3A_85, %broadcast_in_dim3A_37 : vector<16xi1>, vector<16xf32>
        %parallel_loop3A_506 = arith.constant 0 : i32
        %parallel_loop3A_507 = tpu.memref_slice %arg7[%parallel_loop3A_267, %parallel_loop3A_506] : memref<2x51200xf32, #tpu.memory_space<vmem>> -> memref<1x51200xf32, #tpu.memory_space<vmem>>
        %parallel_loop3A_508 = tpu.memref_squeeze %parallel_loop3A_507 : memref<1x51200xf32, #tpu.memory_space<vmem>> -> memref<51200xf32, #tpu.memory_space<vmem>>
        %parallel_loop3A_509 = arith.index_cast %parallel_loop3A_504 : i32 to index
        %parallel_loop3A_510 = tpu.vector_load %parallel_loop3A_508[%parallel_loop3A_509] {strides = array<i32>} : memref<51200xf32, #tpu.memory_space<vmem>>, vector<16xf32>,
        tpu.vector_store %parallel_loop3A_508[%parallel_loop3A_509], %parallel_loop3A_505 {strides = array<i32>} : memref<51200xf32, #tpu.memory_space<vmem>>, vector<16xf32>,
        %parallel_loop3A_511 = arith.constant 25984 : i32
        %parallel_loop3A_512 = arith.addi %parallel_loop3A_511, %parallel_loop3A_422 : i32
        %parallel_loop3A_513 = arith.select %parallel_loop3A_377, %broadcast_in_dim3A_88, %broadcast_in_dim3A_40 : vector<16xi1>, vector<16xf32>
        %parallel_loop3A_514 = arith.constant 0 : i32
        %parallel_loop3A_515 = tpu.memref_slice %arg7[%parallel_loop3A_267, %parallel_loop3A_514] : memref<2x51200xf32, #tpu.memory_space<vmem>> -> memref<1x51200xf32, #tpu.memory_space<vmem>>
        %parallel_loop3A_516 = tpu.memref_squeeze %parallel_loop3A_515 : memref<1x51200xf32, #tpu.memory_space<vmem>> -> memref<51200xf32, #tpu.memory_space<vmem>>
        %parallel_loop3A_517 = arith.index_cast %parallel_loop3A_512 : i32 to index
        %parallel_loop3A_518 = tpu.vector_load %parallel_loop3A_516[%parallel_loop3A_517] {strides = array<i32>} : memref<51200xf32, #tpu.memory_space<vmem>>, vector<16xf32>,
        tpu.vector_store %parallel_loop3A_516[%parallel_loop3A_517], %parallel_loop3A_513 {strides = array<i32>} : memref<51200xf32, #tpu.memory_space<vmem>>, vector<16xf32>,
        %parallel_loop3A_519 = arith.constant 26112 : i32
        %parallel_loop3A_520 = arith.addi %parallel_loop3A_519, %parallel_loop3A_422 : i32
        %parallel_loop3A_521 = arith.select %parallel_loop3A_377, %broadcast_in_dim3A_91, %broadcast_in_dim3A_43 : vector<16xi1>, vector<16xf32>
        %parallel_loop3A_522 = arith.constant 0 : i32
        %parallel_loop3A_523 = tpu.memref_slice %arg7[%parallel_loop3A_267, %parallel_loop3A_522] : memref<2x51200xf32, #tpu.memory_space<vmem>> -> memref<1x51200xf32, #tpu.memory_space<vmem>>
        %parallel_loop3A_524 = tpu.memref_squeeze %parallel_loop3A_523 : memref<1x51200xf32, #tpu.memory_space<vmem>> -> memref<51200xf32, #tpu.memory_space<vmem>>
        %parallel_loop3A_525 = arith.index_cast %parallel_loop3A_520 : i32 to index
        %parallel_loop3A_526 = tpu.vector_load %parallel_loop3A_524[%parallel_loop3A_525] {strides = array<i32>} : memref<51200xf32, #tpu.memory_space<vmem>>, vector<16xf32>,
        tpu.vector_store %parallel_loop3A_524[%parallel_loop3A_525], %parallel_loop3A_521 {strides = array<i32>} : memref<51200xf32, #tpu.memory_space<vmem>>, vector<16xf32>,
        %parallel_loop3A_527 = arith.constant 26240 : i32
        %parallel_loop3A_528 = arith.addi %parallel_loop3A_527, %parallel_loop3A_422 : i32
        %parallel_loop3A_529 = arith.select %parallel_loop3A_377, %broadcast_in_dim3A_94, %broadcast_in_dim3A_46 : vector<16xi1>, vector<16xf32>
        %parallel_loop3A_530 = arith.constant 0 : i32
        %parallel_loop3A_531 = tpu.memref_slice %arg7[%parallel_loop3A_267, %parallel_loop3A_530] : memref<2x51200xf32, #tpu.memory_space<vmem>> -> memref<1x51200xf32, #tpu.memory_space<vmem>>
        %parallel_loop3A_532 = tpu.memref_squeeze %parallel_loop3A_531 : memref<1x51200xf32, #tpu.memory_space<vmem>> -> memref<51200xf32, #tpu.memory_space<vmem>>
        %parallel_loop3A_533 = arith.index_cast %parallel_loop3A_528 : i32 to index
        %parallel_loop3A_534 = tpu.vector_load %parallel_loop3A_532[%parallel_loop3A_533] {strides = array<i32>} : memref<51200xf32, #tpu.memory_space<vmem>>, vector<16xf32>,
        tpu.vector_store %parallel_loop3A_532[%parallel_loop3A_533], %parallel_loop3A_529 {strides = array<i32>} : memref<51200xf32, #tpu.memory_space<vmem>>, vector<16xf32>,
        %parallel_loop3A_535 = arith.constant 26368 : i32
        %parallel_loop3A_536 = arith.addi %parallel_loop3A_535, %parallel_loop3A_422 : i32
        %parallel_loop3A_537 = arith.select %parallel_loop3A_377, %broadcast_in_dim3A_97, %broadcast_in_dim3A_49 : vector<16xi1>, vector<16xf32>
        %parallel_loop3A_538 = arith.constant 0 : i32
        %parallel_loop3A_539 = tpu.memref_slice %arg7[%parallel_loop3A_267, %parallel_loop3A_538] : memref<2x51200xf32, #tpu.memory_space<vmem>> -> memref<1x51200xf32, #tpu.memory_space<vmem>>
        %parallel_loop3A_540 = tpu.memref_squeeze %parallel_loop3A_539 : memref<1x51200xf32, #tpu.memory_space<vmem>> -> memref<51200xf32, #tpu.memory_space<vmem>>
        %parallel_loop3A_541 = arith.index_cast %parallel_loop3A_536 : i32 to index
        %parallel_loop3A_542 = tpu.vector_load %parallel_loop3A_540[%parallel_loop3A_541] {strides = array<i32>} : memref<51200xf32, #tpu.memory_space<vmem>>, vector<16xf32>,
        tpu.vector_store %parallel_loop3A_540[%parallel_loop3A_541], %parallel_loop3A_537 {strides = array<i32>} : memref<51200xf32, #tpu.memory_space<vmem>>, vector<16xf32>,
        %parallel_loop3A_543 = arith.constant 26496 : i32
        %parallel_loop3A_544 = arith.addi %parallel_loop3A_543, %parallel_loop3A_422 : i32
        %parallel_loop3A_545 = arith.select %parallel_loop3A_377, %broadcast_in_dim3A_100, %broadcast_in_dim3A_52 : vector<16xi1>, vector<16xf32>
        %parallel_loop3A_546 = arith.constant 0 : i32
        %parallel_loop3A_547 = tpu.memref_slice %arg7[%parallel_loop3A_267, %parallel_loop3A_546] : memref<2x51200xf32, #tpu.memory_space<vmem>> -> memref<1x51200xf32, #tpu.memory_space<vmem>>
        %parallel_loop3A_548 = tpu.memref_squeeze %parallel_loop3A_547 : memref<1x51200xf32, #tpu.memory_space<vmem>> -> memref<51200xf32, #tpu.memory_space<vmem>>
        %parallel_loop3A_549 = arith.index_cast %parallel_loop3A_544 : i32 to index
        %parallel_loop3A_550 = tpu.vector_load %parallel_loop3A_548[%parallel_loop3A_549] {strides = array<i32>} : memref<51200xf32, #tpu.memory_space<vmem>>, vector<16xf32>,
        tpu.vector_store %parallel_loop3A_548[%parallel_loop3A_549], %parallel_loop3A_545 {strides = array<i32>} : memref<51200xf32, #tpu.memory_space<vmem>>, vector<16xf32>,
      } {sc.loop_unroll_factor = 2 : i64, sc.parallel_access}
      %mul3A_268 = arith.constant 32 : i32
      %mul3A_269 = arith.muli %mul3A_268, %add3A_248 : i32
      %add3A_270 = arith.addi %add3A, %mul3A_269 : i32
      %mul3A_271 = arith.constant 25 : i32
      %mul3A_272 = arith.muli %add3A_270, %mul3A_271 : i32
      %add3A_273 = arith.constant 0 : i32
      %add3A_274 = arith.addi %add3A_273, %mul3A_272 : i32
      %mul3A_275 = arith.constant 1024 : i32
      %mul3A_276 = arith.muli %add3A_274, %mul3A_275 : i32
      %dma_start3A_277 = arith.constant 0 : i32
      %dma_start3A_278 = arith.constant 0 : i32
      %dma_start3A_279 = tpu.memref_slice %arg7[%dma_start3A_277, %dma_start3A_278] : memref<2x51200xf32, #tpu.memory_space<vmem>> -> memref<1x25600xf32, #tpu.memory_space<vmem>>
      %dma_start3A_280 = tpu.memref_squeeze %dma_start3A_279 : memref<1x25600xf32, #tpu.memory_space<vmem>> -> memref<25600xf32, #tpu.memory_space<vmem>>
      %dma_start3A_281 = tpu.memref_slice %arg4[%mul3A_276] : memref<51200000xf32, #tpu.memory_space<hbm>> -> memref<25600xf32, #tpu.memory_space<hbm>>
      %dma_start3A_282 = tpu.memref_slice %arg4[%mul3A_276] : memref<51200000xf32, #tpu.memory_space<hbm>> -> memref<25600xf32, #tpu.memory_space<hbm>>
      %dma_start3A_283 = arith.constant 0 : i32
      %dma_start3A_284 = tpu.memref_slice %arg7[%dma_start3A_277, %dma_start3A_283] : memref<2x51200xf32, #tpu.memory_space<vmem>> -> memref<1x25600xf32, #tpu.memory_space<vmem>>
      %dma_start3A_285 = tpu.memref_squeeze %dma_start3A_284 : memref<1x25600xf32, #tpu.memory_space<vmem>> -> memref<25600xf32, #tpu.memory_space<vmem>>
      tpu.enqueue_dma source(%dma_start3A_285 : memref<25600xf32, #tpu.memory_space<vmem>>) target(%dma_start3A_282 : memref<25600xf32, #tpu.memory_space<hbm>>) target_semaphore(%arg9 : memref<!tpu.dma_semaphore, #tpu.memory_space<semaphore_mem>>)
      %mul3A_286 = arith.constant 25 : i32
      %mul3A_287 = arith.muli %add3A_270, %mul3A_286 : i32
      %add3A_288 = arith.constant 25000 : i32
      %add3A_289 = arith.addi %add3A_288, %mul3A_287 : i32
      %mul3A_290 = arith.constant 1024 : i32
      %mul3A_291 = arith.muli %add3A_289, %mul3A_290 : i32
      %dma_start3A_292 = arith.constant 0 : i32
      %dma_start3A_293 = arith.constant 25600 : i32
      %dma_start3A_294 = tpu.memref_slice %arg7[%dma_start3A_292, %dma_start3A_293] : memref<2x51200xf32, #tpu.memory_space<vmem>> -> memref<1x25600xf32, #tpu.memory_space<vmem>>
      %dma_start3A_295 = tpu.memref_squeeze %dma_start3A_294 : memref<1x25600xf32, #tpu.memory_space<vmem>> -> memref<25600xf32, #tpu.memory_space<vmem>>
      %dma_start3A_296 = tpu.memref_slice %arg4[%mul3A_291] : memref<51200000xf32, #tpu.memory_space<hbm>> -> memref<25600xf32, #tpu.memory_space<hbm>>
      %dma_start3A_297 = tpu.memref_slice %arg4[%mul3A_291] : memref<51200000xf32, #tpu.memory_space<hbm>> -> memref<25600xf32, #tpu.memory_space<hbm>>
      %dma_start3A_298 = arith.constant 25600 : i32
      %dma_start3A_299 = tpu.memref_slice %arg7[%dma_start3A_292, %dma_start3A_298] : memref<2x51200xf32, #tpu.memory_space<vmem>> -> memref<1x25600xf32, #tpu.memory_space<vmem>>
      %dma_start3A_300 = tpu.memref_squeeze %dma_start3A_299 : memref<1x25600xf32, #tpu.memory_space<vmem>> -> memref<25600xf32, #tpu.memory_space<vmem>>
      tpu.enqueue_dma source(%dma_start3A_300 : memref<25600xf32, #tpu.memory_space<vmem>>) target(%dma_start3A_297 : memref<25600xf32, #tpu.memory_space<hbm>>) target_semaphore(%arg9 : memref<!tpu.dma_semaphore, #tpu.memory_space<semaphore_mem>>)
      %add3A_301 = arith.constant 2 : i32
      %add3A_302 = arith.addi %add3A_248, %add3A_301 : i32
      %lt3A_303 = arith.cmpi slt, %add3A_302, %add3A_4 : i32
      %convert_element_type3A_304 = arith.extui %lt3A_303 : i1 to i32
      %cond3A_305 = arith.constant 0 : i32
      %cond3A_306 = arith.cmpi ne, %convert_element_type3A_304, %cond3A_305 : i32
      scf.if %cond3A_306 {
        %add3A_368 = arith.constant 2 : i32
        %add3A_369 = arith.addi %add3A_248, %add3A_368 : i32
        %mul3A_370 = arith.constant 32 : i32
        %mul3A_371 = arith.muli %mul3A_370, %add3A_369 : i32
        %add3A_372 = arith.addi %add3A, %mul3A_371 : i32
        %mul3A_373 = arith.constant 3200 : i32
        %mul3A_374 = arith.muli %add3A_372, %mul3A_373 : i32
        %dma_start3A_375 = arith.constant 0 : i32
        %dma_start3A_376 = arith.constant 0 : i32
        %dma_start3A_377 = tpu.memref_slice %arg6[%dma_start3A_375, %dma_start3A_376] : memref<2x3200xi32, #tpu.memory_space<vmem>> -> memref<1x3200xi32, #tpu.memory_space<vmem>>
        %dma_start3A_378 = tpu.memref_squeeze %dma_start3A_377 : memref<1x3200xi32, #tpu.memory_space<vmem>> -> memref<3200xi32, #tpu.memory_space<vmem>>
        %dma_start3A_379 = tpu.memref_slice %arg2[%mul3A_374] : memref<3200000xi32, #tpu.memory_space<hbm>> -> memref<3200xi32, #tpu.memory_space<hbm>>
        %dma_start3A_380 = arith.constant 0 : i32
        %dma_start3A_381 = tpu.memref_slice %arg6[%dma_start3A_375, %dma_start3A_380] : memref<2x3200xi32, #tpu.memory_space<vmem>> -> memref<1x3200xi32, #tpu.memory_space<vmem>>
        %dma_start3A_382 = tpu.memref_squeeze %dma_start3A_381 : memref<1x3200xi32, #tpu.memory_space<vmem>> -> memref<3200xi32, #tpu.memory_space<vmem>>
        %dma_start3A_383 = tpu.memref_slice %arg2[%mul3A_374] : memref<3200000xi32, #tpu.memory_space<hbm>> -> memref<3200xi32, #tpu.memory_space<hbm>>
        tpu.enqueue_dma source(%dma_start3A_383 : memref<3200xi32, #tpu.memory_space<hbm>>) target(%dma_start3A_382 : memref<3200xi32, #tpu.memory_space<vmem>>) target_semaphore(%arg8 : memref<!tpu.dma_semaphore, #tpu.memory_space<semaphore_mem>>)
      } else {
      }
      %add3A_307 = arith.constant 1 : i32
      %add3A_308 = arith.addi %add3A_248, %add3A_307 : i32
      %dma_wait3A_309 = arith.constant 1 : i32
      %dma_wait3A_310 = arith.constant 0 : i32
      %dma_wait3A_311 = tpu.memref_slice %arg6[%dma_wait3A_309, %dma_wait3A_310] : memref<2x3200xi32, #tpu.memory_space<vmem>> -> memref<1x3200xi32, #tpu.memory_space<vmem>>
      %dma_wait3A_312 = tpu.memref_squeeze %dma_wait3A_311 : memref<1x3200xi32, #tpu.memory_space<vmem>> -> memref<3200xi32, #tpu.memory_space<vmem>>
      %dma_wait3A_313 = arith.constant 0 : i32
      %dma_wait3A_314 = tpu.memref_slice %arg2[%dma_wait3A_313] : memref<3200000xi32, #tpu.memory_space<hbm>> -> memref<3200xi32, #tpu.memory_space<hbm>>
      %dma_wait3A_315 = arith.constant 0 : i32
      %dma_wait3A_316 = tpu.memref_slice %arg6[%dma_wait3A_309, %dma_wait3A_315] : memref<2x3200xi32, #tpu.memory_space<vmem>> -> memref<1x3200xi32, #tpu.memory_space<vmem>>
      %dma_wait3A_317 = tpu.memref_squeeze %dma_wait3A_316 : memref<1x3200xi32, #tpu.memory_space<vmem>> -> memref<3200xi32, #tpu.memory_space<vmem>>
      %dma_wait3A_318 = arith.constant 0 : i32
      %dma_wait3A_319 = tpu.memref_slice %arg2[%dma_wait3A_318] : memref<3200000xi32, #tpu.memory_space<hbm>> -> memref<3200xi32, #tpu.memory_space<hbm>>
      tpu.wait_dma2 semaphore(%arg8 : memref<!tpu.dma_semaphore, #tpu.memory_space<semaphore_mem>>) src(%dma_wait3A_319 : memref<3200xi32, #tpu.memory_space<hbm>>) dst(%dma_wait3A_317 : memref<3200xi32, #tpu.memory_space<vmem>>)
      %ge3A_320 = arith.constant 2 : i32
      %ge3A_321 = arith.cmpi sge, %add3A_308, %ge3A_320 : i32
      %convert_element_type3A_322 = arith.extui %ge3A_321 : i1 to i32
      %cond3A_323 = arith.constant 0 : i32
      %cond3A_324 = arith.cmpi ne, %convert_element_type3A_322, %cond3A_323 : i32
      scf.if %cond3A_324 {
        %dma_wait3A_368 = arith.constant 1 : i32
        %dma_wait3A_369 = arith.constant 0 : i32
        %dma_wait3A_370 = tpu.memref_slice %arg7[%dma_wait3A_368, %dma_wait3A_369] : memref<2x51200xf32, #tpu.memory_space<vmem>> -> memref<1x25600xf32, #tpu.memory_space<vmem>>
        %dma_wait3A_371 = tpu.memref_squeeze %dma_wait3A_370 : memref<1x25600xf32, #tpu.memory_space<vmem>> -> memref<25600xf32, #tpu.memory_space<vmem>>
        %dma_wait3A_372 = arith.constant 0 : i32
        %dma_wait3A_373 = tpu.memref_slice %arg4[%dma_wait3A_372] : memref<51200000xf32, #tpu.memory_space<hbm>> -> memref<25600xf32, #tpu.memory_space<hbm>>
        %dma_wait3A_374 = arith.constant 0 : i32
        %dma_wait3A_375 = tpu.memref_slice %arg4[%dma_wait3A_374] : memref<51200000xf32, #tpu.memory_space<hbm>> -> memref<25600xf32, #tpu.memory_space<hbm>>
        %dma_wait3A_376 = arith.constant 0 : i32
        %dma_wait3A_377 = tpu.memref_slice %arg7[%dma_wait3A_368, %dma_wait3A_376] : memref<2x51200xf32, #tpu.memory_space<vmem>> -> memref<1x25600xf32, #tpu.memory_space<vmem>>
        %dma_wait3A_378 = tpu.memref_squeeze %dma_wait3A_377 : memref<1x25600xf32, #tpu.memory_space<vmem>> -> memref<25600xf32, #tpu.memory_space<vmem>>
        tpu.wait_dma2 semaphore(%arg9 : memref<!tpu.dma_semaphore, #tpu.memory_space<semaphore_mem>>) src(%dma_wait3A_378 : memref<25600xf32, #tpu.memory_space<vmem>>) dst(%dma_wait3A_375 : memref<25600xf32, #tpu.memory_space<hbm>>)
        %dma_wait3A_379 = arith.constant 1 : i32
        %dma_wait3A_380 = arith.constant 25600 : i32
        %dma_wait3A_381 = tpu.memref_slice %arg7[%dma_wait3A_379, %dma_wait3A_380] : memref<2x51200xf32, #tpu.memory_space<vmem>> -> memref<1x25600xf32, #tpu.memory_space<vmem>>
        %dma_wait3A_382 = tpu.memref_squeeze %dma_wait3A_381 : memref<1x25600xf32, #tpu.memory_space<vmem>> -> memref<25600xf32, #tpu.memory_space<vmem>>
        %dma_wait3A_383 = arith.constant 25600 : i32
        %dma_wait3A_384 = tpu.memref_slice %arg4[%dma_wait3A_383] : memref<51200000xf32, #tpu.memory_space<hbm>> -> memref<25600xf32, #tpu.memory_space<hbm>>
        %dma_wait3A_385 = arith.constant 25600 : i32
        %dma_wait3A_386 = tpu.memref_slice %arg4[%dma_wait3A_385] : memref<51200000xf32, #tpu.memory_space<hbm>> -> memref<25600xf32, #tpu.memory_space<hbm>>
        %dma_wait3A_387 = arith.constant 25600 : i32
        %dma_wait3A_388 = tpu.memref_slice %arg7[%dma_wait3A_379, %dma_wait3A_387] : memref<2x51200xf32, #tpu.memory_space<vmem>> -> memref<1x25600xf32, #tpu.memory_space<vmem>>
        %dma_wait3A_389 = tpu.memref_squeeze %dma_wait3A_388 : memref<1x25600xf32, #tpu.memory_space<vmem>> -> memref<25600xf32, #tpu.memory_space<vmem>>
        tpu.wait_dma2 semaphore(%arg9 : memref<!tpu.dma_semaphore, #tpu.memory_space<semaphore_mem>>) src(%dma_wait3A_389 : memref<25600xf32, #tpu.memory_space<vmem>>) dst(%dma_wait3A_386 : memref<25600xf32, #tpu.memory_space<hbm>>)
      } else {
      }
      %parallel_loop3A_325 = arith.constant 0 : i32
      %parallel_loop3A_326 = arith.constant 200 : i32
      %parallel_loop3A_327 = arith.constant 1 : i32
      %parallel_loop3A_328 = arith.constant 1 : i32
      scf.for %parallel_loop3A_368 = %parallel_loop3A_325 to %parallel_loop3A_326 step %parallel_loop3A_327  : i32 {
        %parallel_loop3A_369 = arith.constant 16 : i32
        %parallel_loop3A_370 = arith.muli %parallel_loop3A_368, %parallel_loop3A_369 : i32
        %parallel_loop3A_371 = arith.constant 1 : i32
        %parallel_loop3A_372 = arith.index_cast %parallel_loop3A_371 : i32 to index
        %parallel_loop3A_373 = arith.index_cast %parallel_loop3A_370 : i32 to index
        %parallel_loop3A_374 = tpu.vector_load %arg6[%parallel_loop3A_372, %parallel_loop3A_373] {strides = array<i32>} : memref<2x3200xi32, #tpu.memory_space<vmem>>, vector<16xi32>,
        %parallel_loop3A_375 = arith.constant 0 : i32
        %parallel_loop3A_376 = vector.broadcast %parallel_loop3A_375 : i32 to vector<16xi32>
        %parallel_loop3A_377 = arith.cmpi ne, %parallel_loop3A_374, %parallel_loop3A_376 : vector<16xi32>
        %parallel_loop3A_378 = arith.constant 8 : i32
        %parallel_loop3A_379 = arith.divsi %parallel_loop3A_368, %parallel_loop3A_378 : i32
        %parallel_loop3A_380 = arith.constant 0 : i32
        %parallel_loop3A_381 = arith.cmpi sgt, %parallel_loop3A_368, %parallel_loop3A_380 : i32
        %parallel_loop3A_382 = arith.extui %parallel_loop3A_381 : i1 to i32
        %parallel_loop3A_383 = arith.constant 0 : i32
        %parallel_loop3A_384 = arith.cmpi slt, %parallel_loop3A_368, %parallel_loop3A_383 : i32
        %parallel_loop3A_385 = arith.extui %parallel_loop3A_384 : i1 to i32
        %parallel_loop3A_386 = arith.subi %parallel_loop3A_382, %parallel_loop3A_385 : i32
        %parallel_loop3A_387 = arith.constant 0 : i32
        %parallel_loop3A_388 = arith.cmpi sgt, %parallel_loop3A_378, %parallel_loop3A_387 : i32
        %parallel_loop3A_389 = arith.extui %parallel_loop3A_388 : i1 to i32
        %parallel_loop3A_390 = arith.constant 0 : i32
        %parallel_loop3A_391 = arith.cmpi slt, %parallel_loop3A_378, %parallel_loop3A_390 : i32
        %parallel_loop3A_392 = arith.extui %parallel_loop3A_391 : i1 to i32
        %parallel_loop3A_393 = arith.subi %parallel_loop3A_389, %parallel_loop3A_392 : i32
        %parallel_loop3A_394 = arith.cmpi ne, %parallel_loop3A_386, %parallel_loop3A_393 : i32
        %parallel_loop3A_395 = arith.remsi %parallel_loop3A_368, %parallel_loop3A_378 : i32
        %parallel_loop3A_396 = arith.constant 0 : i32
        %parallel_loop3A_397 = arith.cmpi ne, %parallel_loop3A_395, %parallel_loop3A_396 : i32
        %parallel_loop3A_398 = arith.andi %parallel_loop3A_394, %parallel_loop3A_397 : i1
        %parallel_loop3A_399 = arith.constant 1 : i32
        %parallel_loop3A_400 = arith.subi %parallel_loop3A_379, %parallel_loop3A_399 : i32
        %parallel_loop3A_401 = arith.select %parallel_loop3A_398, %parallel_loop3A_400, %parallel_loop3A_379 : i32
        %parallel_loop3A_402 = arith.constant 1024 : i32
        %parallel_loop3A_403 = arith.muli %parallel_loop3A_401, %parallel_loop3A_402 : i32
        %parallel_loop3A_404 = arith.constant 8 : i32
        %parallel_loop3A_405 = arith.constant 0 : i32
        %parallel_loop3A_406 = arith.cmpi eq, %parallel_loop3A_404, %parallel_loop3A_405 : i32
        %parallel_loop3A_407 = arith.constant 1 : i32
        %parallel_loop3A_408 = arith.select %parallel_loop3A_406, %parallel_loop3A_407, %parallel_loop3A_404 : i32
        %parallel_loop3A_409 = arith.remsi %parallel_loop3A_368, %parallel_loop3A_408 : i32
        %parallel_loop3A_410 = arith.constant 0 : i32
        %parallel_loop3A_411 = arith.cmpi ne, %parallel_loop3A_409, %parallel_loop3A_410 : i32
        %parallel_loop3A_412 = arith.constant 0 : i32
        %parallel_loop3A_413 = arith.cmpi slt, %parallel_loop3A_409, %parallel_loop3A_412 : i32
        %parallel_loop3A_414 = arith.constant 0 : i32
        %parallel_loop3A_415 = arith.cmpi slt, %parallel_loop3A_408, %parallel_loop3A_414 : i32
        %parallel_loop3A_416 = arith.xori %parallel_loop3A_413, %parallel_loop3A_415 : i1
        %parallel_loop3A_417 = arith.andi %parallel_loop3A_416, %parallel_loop3A_411 : i1
        %parallel_loop3A_418 = arith.addi %parallel_loop3A_409, %parallel_loop3A_408 : i32
        %parallel_loop3A_419 = arith.select %parallel_loop3A_417, %parallel_loop3A_418, %parallel_loop3A_409 : i32
        %parallel_loop3A_420 = arith.constant 16 : i32
        %parallel_loop3A_421 = arith.muli %parallel_loop3A_419, %parallel_loop3A_420 : i32
        %parallel_loop3A_422 = arith.addi %parallel_loop3A_403, %parallel_loop3A_421 : i32
        %parallel_loop3A_423 = arith.constant 0 : i32
        %parallel_loop3A_424 = arith.addi %parallel_loop3A_423, %parallel_loop3A_422 : i32
        %parallel_loop3A_425 = arith.select %parallel_loop3A_377, %broadcast_in_dim3A_55, %broadcast_in_dim3A : vector<16xi1>, vector<16xf32>
        %parallel_loop3A_426 = arith.constant 0 : i32
        %parallel_loop3A_427 = tpu.memref_slice %arg7[%parallel_loop3A_328, %parallel_loop3A_426] : memref<2x51200xf32, #tpu.memory_space<vmem>> -> memref<1x51200xf32, #tpu.memory_space<vmem>>
        %parallel_loop3A_428 = tpu.memref_squeeze %parallel_loop3A_427 : memref<1x51200xf32, #tpu.memory_space<vmem>> -> memref<51200xf32, #tpu.memory_space<vmem>>
        %parallel_loop3A_429 = arith.index_cast %parallel_loop3A_424 : i32 to index
        %parallel_loop3A_430 = tpu.vector_load %parallel_loop3A_428[%parallel_loop3A_429] {strides = array<i32>} : memref<51200xf32, #tpu.memory_space<vmem>>, vector<16xf32>,
        tpu.vector_store %parallel_loop3A_428[%parallel_loop3A_429], %parallel_loop3A_425 {strides = array<i32>} : memref<51200xf32, #tpu.memory_space<vmem>>, vector<16xf32>,
        %parallel_loop3A_431 = arith.constant 128 : i32
        %parallel_loop3A_432 = arith.addi %parallel_loop3A_431, %parallel_loop3A_422 : i32
        %parallel_loop3A_433 = arith.select %parallel_loop3A_377, %broadcast_in_dim3A_58, %broadcast_in_dim3A_10 : vector<16xi1>, vector<16xf32>
        %parallel_loop3A_434 = arith.constant 0 : i32
        %parallel_loop3A_435 = tpu.memref_slice %arg7[%parallel_loop3A_328, %parallel_loop3A_434] : memref<2x51200xf32, #tpu.memory_space<vmem>> -> memref<1x51200xf32, #tpu.memory_space<vmem>>
        %parallel_loop3A_436 = tpu.memref_squeeze %parallel_loop3A_435 : memref<1x51200xf32, #tpu.memory_space<vmem>> -> memref<51200xf32, #tpu.memory_space<vmem>>
        %parallel_loop3A_437 = arith.index_cast %parallel_loop3A_432 : i32 to index
        %parallel_loop3A_438 = tpu.vector_load %parallel_loop3A_436[%parallel_loop3A_437] {strides = array<i32>} : memref<51200xf32, #tpu.memory_space<vmem>>, vector<16xf32>,
        tpu.vector_store %parallel_loop3A_436[%parallel_loop3A_437], %parallel_loop3A_433 {strides = array<i32>} : memref<51200xf32, #tpu.memory_space<vmem>>, vector<16xf32>,
        %parallel_loop3A_439 = arith.constant 256 : i32
        %parallel_loop3A_440 = arith.addi %parallel_loop3A_439, %parallel_loop3A_422 : i32
        %parallel_loop3A_441 = arith.select %parallel_loop3A_377, %broadcast_in_dim3A_61, %broadcast_in_dim3A_13 : vector<16xi1>, vector<16xf32>
        %parallel_loop3A_442 = arith.constant 0 : i32
        %parallel_loop3A_443 = tpu.memref_slice %arg7[%parallel_loop3A_328, %parallel_loop3A_442] : memref<2x51200xf32, #tpu.memory_space<vmem>> -> memref<1x51200xf32, #tpu.memory_space<vmem>>
        %parallel_loop3A_444 = tpu.memref_squeeze %parallel_loop3A_443 : memref<1x51200xf32, #tpu.memory_space<vmem>> -> memref<51200xf32, #tpu.memory_space<vmem>>
        %parallel_loop3A_445 = arith.index_cast %parallel_loop3A_440 : i32 to index
        %parallel_loop3A_446 = tpu.vector_load %parallel_loop3A_444[%parallel_loop3A_445] {strides = array<i32>} : memref<51200xf32, #tpu.memory_space<vmem>>, vector<16xf32>,
        tpu.vector_store %parallel_loop3A_444[%parallel_loop3A_445], %parallel_loop3A_441 {strides = array<i32>} : memref<51200xf32, #tpu.memory_space<vmem>>, vector<16xf32>,
        %parallel_loop3A_447 = arith.constant 384 : i32
        %parallel_loop3A_448 = arith.addi %parallel_loop3A_447, %parallel_loop3A_422 : i32
        %parallel_loop3A_449 = arith.select %parallel_loop3A_377, %broadcast_in_dim3A_64, %broadcast_in_dim3A_16 : vector<16xi1>, vector<16xf32>
        %parallel_loop3A_450 = arith.constant 0 : i32
        %parallel_loop3A_451 = tpu.memref_slice %arg7[%parallel_loop3A_328, %parallel_loop3A_450] : memref<2x51200xf32, #tpu.memory_space<vmem>> -> memref<1x51200xf32, #tpu.memory_space<vmem>>
        %parallel_loop3A_452 = tpu.memref_squeeze %parallel_loop3A_451 : memref<1x51200xf32, #tpu.memory_space<vmem>> -> memref<51200xf32, #tpu.memory_space<vmem>>
        %parallel_loop3A_453 = arith.index_cast %parallel_loop3A_448 : i32 to index
        %parallel_loop3A_454 = tpu.vector_load %parallel_loop3A_452[%parallel_loop3A_453] {strides = array<i32>} : memref<51200xf32, #tpu.memory_space<vmem>>, vector<16xf32>,
        tpu.vector_store %parallel_loop3A_452[%parallel_loop3A_453], %parallel_loop3A_449 {strides = array<i32>} : memref<51200xf32, #tpu.memory_space<vmem>>, vector<16xf32>,
        %parallel_loop3A_455 = arith.constant 512 : i32
        %parallel_loop3A_456 = arith.addi %parallel_loop3A_455, %parallel_loop3A_422 : i32
        %parallel_loop3A_457 = arith.select %parallel_loop3A_377, %broadcast_in_dim3A_67, %broadcast_in_dim3A_19 : vector<16xi1>, vector<16xf32>
        %parallel_loop3A_458 = arith.constant 0 : i32
        %parallel_loop3A_459 = tpu.memref_slice %arg7[%parallel_loop3A_328, %parallel_loop3A_458] : memref<2x51200xf32, #tpu.memory_space<vmem>> -> memref<1x51200xf32, #tpu.memory_space<vmem>>
        %parallel_loop3A_460 = tpu.memref_squeeze %parallel_loop3A_459 : memref<1x51200xf32, #tpu.memory_space<vmem>> -> memref<51200xf32, #tpu.memory_space<vmem>>
        %parallel_loop3A_461 = arith.index_cast %parallel_loop3A_456 : i32 to index
        %parallel_loop3A_462 = tpu.vector_load %parallel_loop3A_460[%parallel_loop3A_461] {strides = array<i32>} : memref<51200xf32, #tpu.memory_space<vmem>>, vector<16xf32>,
        tpu.vector_store %parallel_loop3A_460[%parallel_loop3A_461], %parallel_loop3A_457 {strides = array<i32>} : memref<51200xf32, #tpu.memory_space<vmem>>, vector<16xf32>,
        %parallel_loop3A_463 = arith.constant 640 : i32
        %parallel_loop3A_464 = arith.addi %parallel_loop3A_463, %parallel_loop3A_422 : i32
        %parallel_loop3A_465 = arith.select %parallel_loop3A_377, %broadcast_in_dim3A_70, %broadcast_in_dim3A_22 : vector<16xi1>, vector<16xf32>
        %parallel_loop3A_466 = arith.constant 0 : i32
        %parallel_loop3A_467 = tpu.memref_slice %arg7[%parallel_loop3A_328, %parallel_loop3A_466] : memref<2x51200xf32, #tpu.memory_space<vmem>> -> memref<1x51200xf32, #tpu.memory_space<vmem>>
        %parallel_loop3A_468 = tpu.memref_squeeze %parallel_loop3A_467 : memref<1x51200xf32, #tpu.memory_space<vmem>> -> memref<51200xf32, #tpu.memory_space<vmem>>
        %parallel_loop3A_469 = arith.index_cast %parallel_loop3A_464 : i32 to index
        %parallel_loop3A_470 = tpu.vector_load %parallel_loop3A_468[%parallel_loop3A_469] {strides = array<i32>} : memref<51200xf32, #tpu.memory_space<vmem>>, vector<16xf32>,
        tpu.vector_store %parallel_loop3A_468[%parallel_loop3A_469], %parallel_loop3A_465 {strides = array<i32>} : memref<51200xf32, #tpu.memory_space<vmem>>, vector<16xf32>,
        %parallel_loop3A_471 = arith.constant 768 : i32
        %parallel_loop3A_472 = arith.addi %parallel_loop3A_471, %parallel_loop3A_422 : i32
        %parallel_loop3A_473 = arith.select %parallel_loop3A_377, %broadcast_in_dim3A_73, %broadcast_in_dim3A_25 : vector<16xi1>, vector<16xf32>
        %parallel_loop3A_474 = arith.constant 0 : i32
        %parallel_loop3A_475 = tpu.memref_slice %arg7[%parallel_loop3A_328, %parallel_loop3A_474] : memref<2x51200xf32, #tpu.memory_space<vmem>> -> memref<1x51200xf32, #tpu.memory_space<vmem>>
        %parallel_loop3A_476 = tpu.memref_squeeze %parallel_loop3A_475 : memref<1x51200xf32, #tpu.memory_space<vmem>> -> memref<51200xf32, #tpu.memory_space<vmem>>
        %parallel_loop3A_477 = arith.index_cast %parallel_loop3A_472 : i32 to index
        %parallel_loop3A_478 = tpu.vector_load %parallel_loop3A_476[%parallel_loop3A_477] {strides = array<i32>} : memref<51200xf32, #tpu.memory_space<vmem>>, vector<16xf32>,
        tpu.vector_store %parallel_loop3A_476[%parallel_loop3A_477], %parallel_loop3A_473 {strides = array<i32>} : memref<51200xf32, #tpu.memory_space<vmem>>, vector<16xf32>,
        %parallel_loop3A_479 = arith.constant 896 : i32
        %parallel_loop3A_480 = arith.addi %parallel_loop3A_479, %parallel_loop3A_422 : i32
        %parallel_loop3A_481 = arith.select %parallel_loop3A_377, %broadcast_in_dim3A_76, %broadcast_in_dim3A_28 : vector<16xi1>, vector<16xf32>
        %parallel_loop3A_482 = arith.constant 0 : i32
        %parallel_loop3A_483 = tpu.memref_slice %arg7[%parallel_loop3A_328, %parallel_loop3A_482] : memref<2x51200xf32, #tpu.memory_space<vmem>> -> memref<1x51200xf32, #tpu.memory_space<vmem>>
        %parallel_loop3A_484 = tpu.memref_squeeze %parallel_loop3A_483 : memref<1x51200xf32, #tpu.memory_space<vmem>> -> memref<51200xf32, #tpu.memory_space<vmem>>
        %parallel_loop3A_485 = arith.index_cast %parallel_loop3A_480 : i32 to index
        %parallel_loop3A_486 = tpu.vector_load %parallel_loop3A_484[%parallel_loop3A_485] {strides = array<i32>} : memref<51200xf32, #tpu.memory_space<vmem>>, vector<16xf32>,
        tpu.vector_store %parallel_loop3A_484[%parallel_loop3A_485], %parallel_loop3A_481 {strides = array<i32>} : memref<51200xf32, #tpu.memory_space<vmem>>, vector<16xf32>,
        %parallel_loop3A_487 = arith.constant 25600 : i32
        %parallel_loop3A_488 = arith.addi %parallel_loop3A_487, %parallel_loop3A_422 : i32
        %parallel_loop3A_489 = arith.select %parallel_loop3A_377, %broadcast_in_dim3A_79, %broadcast_in_dim3A_31 : vector<16xi1>, vector<16xf32>
        %parallel_loop3A_490 = arith.constant 0 : i32
        %parallel_loop3A_491 = tpu.memref_slice %arg7[%parallel_loop3A_328, %parallel_loop3A_490] : memref<2x51200xf32, #tpu.memory_space<vmem>> -> memref<1x51200xf32, #tpu.memory_space<vmem>>
        %parallel_loop3A_492 = tpu.memref_squeeze %parallel_loop3A_491 : memref<1x51200xf32, #tpu.memory_space<vmem>> -> memref<51200xf32, #tpu.memory_space<vmem>>
        %parallel_loop3A_493 = arith.index_cast %parallel_loop3A_488 : i32 to index
        %parallel_loop3A_494 = tpu.vector_load %parallel_loop3A_492[%parallel_loop3A_493] {strides = array<i32>} : memref<51200xf32, #tpu.memory_space<vmem>>, vector<16xf32>,
        tpu.vector_store %parallel_loop3A_492[%parallel_loop3A_493], %parallel_loop3A_489 {strides = array<i32>} : memref<51200xf32, #tpu.memory_space<vmem>>, vector<16xf32>,
        %parallel_loop3A_495 = arith.constant 25728 : i32
        %parallel_loop3A_496 = arith.addi %parallel_loop3A_495, %parallel_loop3A_422 : i32
        %parallel_loop3A_497 = arith.select %parallel_loop3A_377, %broadcast_in_dim3A_82, %broadcast_in_dim3A_34 : vector<16xi1>, vector<16xf32>
        %parallel_loop3A_498 = arith.constant 0 : i32
        %parallel_loop3A_499 = tpu.memref_slice %arg7[%parallel_loop3A_328, %parallel_loop3A_498] : memref<2x51200xf32, #tpu.memory_space<vmem>> -> memref<1x51200xf32, #tpu.memory_space<vmem>>
        %parallel_loop3A_500 = tpu.memref_squeeze %parallel_loop3A_499 : memref<1x51200xf32, #tpu.memory_space<vmem>> -> memref<51200xf32, #tpu.memory_space<vmem>>
        %parallel_loop3A_501 = arith.index_cast %parallel_loop3A_496 : i32 to index
        %parallel_loop3A_502 = tpu.vector_load %parallel_loop3A_500[%parallel_loop3A_501] {strides = array<i32>} : memref<51200xf32, #tpu.memory_space<vmem>>, vector<16xf32>,
        tpu.vector_store %parallel_loop3A_500[%parallel_loop3A_501], %parallel_loop3A_497 {strides = array<i32>} : memref<51200xf32, #tpu.memory_space<vmem>>, vector<16xf32>,
        %parallel_loop3A_503 = arith.constant 25856 : i32
        %parallel_loop3A_504 = arith.addi %parallel_loop3A_503, %parallel_loop3A_422 : i32
        %parallel_loop3A_505 = arith.select %parallel_loop3A_377, %broadcast_in_dim3A_85, %broadcast_in_dim3A_37 : vector<16xi1>, vector<16xf32>
        %parallel_loop3A_506 = arith.constant 0 : i32
        %parallel_loop3A_507 = tpu.memref_slice %arg7[%parallel_loop3A_328, %parallel_loop3A_506] : memref<2x51200xf32, #tpu.memory_space<vmem>> -> memref<1x51200xf32, #tpu.memory_space<vmem>>
        %parallel_loop3A_508 = tpu.memref_squeeze %parallel_loop3A_507 : memref<1x51200xf32, #tpu.memory_space<vmem>> -> memref<51200xf32, #tpu.memory_space<vmem>>
        %parallel_loop3A_509 = arith.index_cast %parallel_loop3A_504 : i32 to index
        %parallel_loop3A_510 = tpu.vector_load %parallel_loop3A_508[%parallel_loop3A_509] {strides = array<i32>} : memref<51200xf32, #tpu.memory_space<vmem>>, vector<16xf32>,
        tpu.vector_store %parallel_loop3A_508[%parallel_loop3A_509], %parallel_loop3A_505 {strides = array<i32>} : memref<51200xf32, #tpu.memory_space<vmem>>, vector<16xf32>,
        %parallel_loop3A_511 = arith.constant 25984 : i32
        %parallel_loop3A_512 = arith.addi %parallel_loop3A_511, %parallel_loop3A_422 : i32
        %parallel_loop3A_513 = arith.select %parallel_loop3A_377, %broadcast_in_dim3A_88, %broadcast_in_dim3A_40 : vector<16xi1>, vector<16xf32>
        %parallel_loop3A_514 = arith.constant 0 : i32
        %parallel_loop3A_515 = tpu.memref_slice %arg7[%parallel_loop3A_328, %parallel_loop3A_514] : memref<2x51200xf32, #tpu.memory_space<vmem>> -> memref<1x51200xf32, #tpu.memory_space<vmem>>
        %parallel_loop3A_516 = tpu.memref_squeeze %parallel_loop3A_515 : memref<1x51200xf32, #tpu.memory_space<vmem>> -> memref<51200xf32, #tpu.memory_space<vmem>>
        %parallel_loop3A_517 = arith.index_cast %parallel_loop3A_512 : i32 to index
        %parallel_loop3A_518 = tpu.vector_load %parallel_loop3A_516[%parallel_loop3A_517] {strides = array<i32>} : memref<51200xf32, #tpu.memory_space<vmem>>, vector<16xf32>,
        tpu.vector_store %parallel_loop3A_516[%parallel_loop3A_517], %parallel_loop3A_513 {strides = array<i32>} : memref<51200xf32, #tpu.memory_space<vmem>>, vector<16xf32>,
        %parallel_loop3A_519 = arith.constant 26112 : i32
        %parallel_loop3A_520 = arith.addi %parallel_loop3A_519, %parallel_loop3A_422 : i32
        %parallel_loop3A_521 = arith.select %parallel_loop3A_377, %broadcast_in_dim3A_91, %broadcast_in_dim3A_43 : vector<16xi1>, vector<16xf32>
        %parallel_loop3A_522 = arith.constant 0 : i32
        %parallel_loop3A_523 = tpu.memref_slice %arg7[%parallel_loop3A_328, %parallel_loop3A_522] : memref<2x51200xf32, #tpu.memory_space<vmem>> -> memref<1x51200xf32, #tpu.memory_space<vmem>>
        %parallel_loop3A_524 = tpu.memref_squeeze %parallel_loop3A_523 : memref<1x51200xf32, #tpu.memory_space<vmem>> -> memref<51200xf32, #tpu.memory_space<vmem>>
        %parallel_loop3A_525 = arith.index_cast %parallel_loop3A_520 : i32 to index
        %parallel_loop3A_526 = tpu.vector_load %parallel_loop3A_524[%parallel_loop3A_525] {strides = array<i32>} : memref<51200xf32, #tpu.memory_space<vmem>>, vector<16xf32>,
        tpu.vector_store %parallel_loop3A_524[%parallel_loop3A_525], %parallel_loop3A_521 {strides = array<i32>} : memref<51200xf32, #tpu.memory_space<vmem>>, vector<16xf32>,
        %parallel_loop3A_527 = arith.constant 26240 : i32
        %parallel_loop3A_528 = arith.addi %parallel_loop3A_527, %parallel_loop3A_422 : i32
        %parallel_loop3A_529 = arith.select %parallel_loop3A_377, %broadcast_in_dim3A_94, %broadcast_in_dim3A_46 : vector<16xi1>, vector<16xf32>
        %parallel_loop3A_530 = arith.constant 0 : i32
        %parallel_loop3A_531 = tpu.memref_slice %arg7[%parallel_loop3A_328, %parallel_loop3A_530] : memref<2x51200xf32, #tpu.memory_space<vmem>> -> memref<1x51200xf32, #tpu.memory_space<vmem>>
        %parallel_loop3A_532 = tpu.memref_squeeze %parallel_loop3A_531 : memref<1x51200xf32, #tpu.memory_space<vmem>> -> memref<51200xf32, #tpu.memory_space<vmem>>
        %parallel_loop3A_533 = arith.index_cast %parallel_loop3A_528 : i32 to index
        %parallel_loop3A_534 = tpu.vector_load %parallel_loop3A_532[%parallel_loop3A_533] {strides = array<i32>} : memref<51200xf32, #tpu.memory_space<vmem>>, vector<16xf32>,
        tpu.vector_store %parallel_loop3A_532[%parallel_loop3A_533], %parallel_loop3A_529 {strides = array<i32>} : memref<51200xf32, #tpu.memory_space<vmem>>, vector<16xf32>,
        %parallel_loop3A_535 = arith.constant 26368 : i32
        %parallel_loop3A_536 = arith.addi %parallel_loop3A_535, %parallel_loop3A_422 : i32
        %parallel_loop3A_537 = arith.select %parallel_loop3A_377, %broadcast_in_dim3A_97, %broadcast_in_dim3A_49 : vector<16xi1>, vector<16xf32>
        %parallel_loop3A_538 = arith.constant 0 : i32
        %parallel_loop3A_539 = tpu.memref_slice %arg7[%parallel_loop3A_328, %parallel_loop3A_538] : memref<2x51200xf32, #tpu.memory_space<vmem>> -> memref<1x51200xf32, #tpu.memory_space<vmem>>
        %parallel_loop3A_540 = tpu.memref_squeeze %parallel_loop3A_539 : memref<1x51200xf32, #tpu.memory_space<vmem>> -> memref<51200xf32, #tpu.memory_space<vmem>>
        %parallel_loop3A_541 = arith.index_cast %parallel_loop3A_536 : i32 to index
        %parallel_loop3A_542 = tpu.vector_load %parallel_loop3A_540[%parallel_loop3A_541] {strides = array<i32>} : memref<51200xf32, #tpu.memory_space<vmem>>, vector<16xf32>,
        tpu.vector_store %parallel_loop3A_540[%parallel_loop3A_541], %parallel_loop3A_537 {strides = array<i32>} : memref<51200xf32, #tpu.memory_space<vmem>>, vector<16xf32>,
        %parallel_loop3A_543 = arith.constant 26496 : i32
        %parallel_loop3A_544 = arith.addi %parallel_loop3A_543, %parallel_loop3A_422 : i32
        %parallel_loop3A_545 = arith.select %parallel_loop3A_377, %broadcast_in_dim3A_100, %broadcast_in_dim3A_52 : vector<16xi1>, vector<16xf32>
        %parallel_loop3A_546 = arith.constant 0 : i32
        %parallel_loop3A_547 = tpu.memref_slice %arg7[%parallel_loop3A_328, %parallel_loop3A_546] : memref<2x51200xf32, #tpu.memory_space<vmem>> -> memref<1x51200xf32, #tpu.memory_space<vmem>>
        %parallel_loop3A_548 = tpu.memref_squeeze %parallel_loop3A_547 : memref<1x51200xf32, #tpu.memory_space<vmem>> -> memref<51200xf32, #tpu.memory_space<vmem>>
        %parallel_loop3A_549 = arith.index_cast %parallel_loop3A_544 : i32 to index
        %parallel_loop3A_550 = tpu.vector_load %parallel_loop3A_548[%parallel_loop3A_549] {strides = array<i32>} : memref<51200xf32, #tpu.memory_space<vmem>>, vector<16xf32>,
        tpu.vector_store %parallel_loop3A_548[%parallel_loop3A_549], %parallel_loop3A_545 {strides = array<i32>} : memref<51200xf32, #tpu.memory_space<vmem>>, vector<16xf32>,
      } {sc.loop_unroll_factor = 2 : i64, sc.parallel_access}
      %mul3A_329 = arith.constant 32 : i32
      %mul3A_330 = arith.muli %mul3A_329, %add3A_308 : i32
      %add3A_331 = arith.addi %add3A, %mul3A_330 : i32
      %mul3A_332 = arith.constant 25 : i32
      %mul3A_333 = arith.muli %add3A_331, %mul3A_332 : i32
      %add3A_334 = arith.constant 0 : i32
      %add3A_335 = arith.addi %add3A_334, %mul3A_333 : i32
      %mul3A_336 = arith.constant 1024 : i32
      %mul3A_337 = arith.muli %add3A_335, %mul3A_336 : i32
      %dma_start3A_338 = arith.constant 1 : i32
      %dma_start3A_339 = arith.constant 0 : i32
      %dma_start3A_340 = tpu.memref_slice %arg7[%dma_start3A_338, %dma_start3A_339] : memref<2x51200xf32, #tpu.memory_space<vmem>> -> memref<1x25600xf32, #tpu.memory_space<vmem>>
      %dma_start3A_341 = tpu.memref_squeeze %dma_start3A_340 : memref<1x25600xf32, #tpu.memory_space<vmem>> -> memref<25600xf32, #tpu.memory_space<vmem>>
      %dma_start3A_342 = tpu.memref_slice %arg4[%mul3A_337] : memref<51200000xf32, #tpu.memory_space<hbm>> -> memref<25600xf32, #tpu.memory_space<hbm>>
      %dma_start3A_343 = tpu.memref_slice %arg4[%mul3A_337] : memref<51200000xf32, #tpu.memory_space<hbm>> -> memref<25600xf32, #tpu.memory_space<hbm>>
      %dma_start3A_344 = arith.constant 0 : i32
      %dma_start3A_345 = tpu.memref_slice %arg7[%dma_start3A_338, %dma_start3A_344] : memref<2x51200xf32, #tpu.memory_space<vmem>> -> memref<1x25600xf32, #tpu.memory_space<vmem>>
      %dma_start3A_346 = tpu.memref_squeeze %dma_start3A_345 : memref<1x25600xf32, #tpu.memory_space<vmem>> -> memref<25600xf32, #tpu.memory_space<vmem>>
      tpu.enqueue_dma source(%dma_start3A_346 : memref<25600xf32, #tpu.memory_space<vmem>>) target(%dma_start3A_343 : memref<25600xf32, #tpu.memory_space<hbm>>) target_semaphore(%arg9 : memref<!tpu.dma_semaphore, #tpu.memory_space<semaphore_mem>>)
      %mul3A_347 = arith.constant 25 : i32
      %mul3A_348 = arith.muli %add3A_331, %mul3A_347 : i32
      %add3A_349 = arith.constant 25000 : i32
      %add3A_350 = arith.addi %add3A_349, %mul3A_348 : i32
      %mul3A_351 = arith.constant 1024 : i32
      %mul3A_352 = arith.muli %add3A_350, %mul3A_351 : i32
      %dma_start3A_353 = arith.constant 1 : i32
      %dma_start3A_354 = arith.constant 25600 : i32
      %dma_start3A_355 = tpu.memref_slice %arg7[%dma_start3A_353, %dma_start3A_354] : memref<2x51200xf32, #tpu.memory_space<vmem>> -> memref<1x25600xf32, #tpu.memory_space<vmem>>
      %dma_start3A_356 = tpu.memref_squeeze %dma_start3A_355 : memref<1x25600xf32, #tpu.memory_space<vmem>> -> memref<25600xf32, #tpu.memory_space<vmem>>
      %dma_start3A_357 = tpu.memref_slice %arg4[%mul3A_352] : memref<51200000xf32, #tpu.memory_space<hbm>> -> memref<25600xf32, #tpu.memory_space<hbm>>
      %dma_start3A_358 = tpu.memref_slice %arg4[%mul3A_352] : memref<51200000xf32, #tpu.memory_space<hbm>> -> memref<25600xf32, #tpu.memory_space<hbm>>
      %dma_start3A_359 = arith.constant 25600 : i32
      %dma_start3A_360 = tpu.memref_slice %arg7[%dma_start3A_353, %dma_start3A_359] : memref<2x51200xf32, #tpu.memory_space<vmem>> -> memref<1x25600xf32, #tpu.memory_space<vmem>>
      %dma_start3A_361 = tpu.memref_squeeze %dma_start3A_360 : memref<1x25600xf32, #tpu.memory_space<vmem>> -> memref<25600xf32, #tpu.memory_space<vmem>>
      tpu.enqueue_dma source(%dma_start3A_361 : memref<25600xf32, #tpu.memory_space<vmem>>) target(%dma_start3A_358 : memref<25600xf32, #tpu.memory_space<hbm>>) target_semaphore(%arg9 : memref<!tpu.dma_semaphore, #tpu.memory_space<semaphore_mem>>)
      %add3A_362 = arith.constant 2 : i32
      %add3A_363 = arith.addi %add3A_308, %add3A_362 : i32
      %lt3A_364 = arith.cmpi slt, %add3A_363, %add3A_4 : i32
      %convert_element_type3A_365 = arith.extui %lt3A_364 : i1 to i32
      %cond3A_366 = arith.constant 0 : i32
      %cond3A_367 = arith.cmpi ne, %convert_element_type3A_365, %cond3A_366 : i32
      scf.if %cond3A_367 {
        %add3A_368 = arith.constant 2 : i32
        %add3A_369 = arith.addi %add3A_308, %add3A_368 : i32
        %mul3A_370 = arith.constant 32 : i32
        %mul3A_371 = arith.muli %mul3A_370, %add3A_369 : i32
        %add3A_372 = arith.addi %add3A, %mul3A_371 : i32
        %mul3A_373 = arith.constant 3200 : i32
        %mul3A_374 = arith.muli %add3A_372, %mul3A_373 : i32
        %dma_start3A_375 = arith.constant 1 : i32
        %dma_start3A_376 = arith.constant 0 : i32
        %dma_start3A_377 = tpu.memref_slice %arg6[%dma_start3A_375, %dma_start3A_376] : memref<2x3200xi32, #tpu.memory_space<vmem>> -> memref<1x3200xi32, #tpu.memory_space<vmem>>
        %dma_start3A_378 = tpu.memref_squeeze %dma_start3A_377 : memref<1x3200xi32, #tpu.memory_space<vmem>> -> memref<3200xi32, #tpu.memory_space<vmem>>
        %dma_start3A_379 = tpu.memref_slice %arg2[%mul3A_374] : memref<3200000xi32, #tpu.memory_space<hbm>> -> memref<3200xi32, #tpu.memory_space<hbm>>
        %dma_start3A_380 = arith.constant 0 : i32
        %dma_start3A_381 = tpu.memref_slice %arg6[%dma_start3A_375, %dma_start3A_380] : memref<2x3200xi32, #tpu.memory_space<vmem>> -> memref<1x3200xi32, #tpu.memory_space<vmem>>
        %dma_start3A_382 = tpu.memref_squeeze %dma_start3A_381 : memref<1x3200xi32, #tpu.memory_space<vmem>> -> memref<3200xi32, #tpu.memory_space<vmem>>
        %dma_start3A_383 = tpu.memref_slice %arg2[%mul3A_374] : memref<3200000xi32, #tpu.memory_space<hbm>> -> memref<3200xi32, #tpu.memory_space<hbm>>
        tpu.enqueue_dma source(%dma_start3A_383 : memref<3200xi32, #tpu.memory_space<hbm>>) target(%dma_start3A_382 : memref<3200xi32, #tpu.memory_space<vmem>>) target_semaphore(%arg8 : memref<!tpu.dma_semaphore, #tpu.memory_space<semaphore_mem>>)
      } else {
      }
    }
    %scan3A_129 = arith.constant 15 : i32
    %dma_wait3A = arith.constant 0 : i32
    %dma_wait3A_130 = arith.constant 0 : i32
    %dma_wait3A_131 = tpu.memref_slice %arg6[%dma_wait3A, %dma_wait3A_130] : memref<2x3200xi32, #tpu.memory_space<vmem>> -> memref<1x3200xi32, #tpu.memory_space<vmem>>
    %dma_wait3A_132 = tpu.memref_squeeze %dma_wait3A_131 : memref<1x3200xi32, #tpu.memory_space<vmem>> -> memref<3200xi32, #tpu.memory_space<vmem>>
    %dma_wait3A_133 = arith.constant 0 : i32
    %dma_wait3A_134 = tpu.memref_slice %arg2[%dma_wait3A_133] : memref<3200000xi32, #tpu.memory_space<hbm>> -> memref<3200xi32, #tpu.memory_space<hbm>>
    %dma_wait3A_135 = arith.constant 0 : i32
    %dma_wait3A_136 = tpu.memref_slice %arg6[%dma_wait3A, %dma_wait3A_135] : memref<2x3200xi32, #tpu.memory_space<vmem>> -> memref<1x3200xi32, #tpu.memory_space<vmem>>
    %dma_wait3A_137 = tpu.memref_squeeze %dma_wait3A_136 : memref<1x3200xi32, #tpu.memory_space<vmem>> -> memref<3200xi32, #tpu.memory_space<vmem>>
    %dma_wait3A_138 = arith.constant 0 : i32
    %dma_wait3A_139 = tpu.memref_slice %arg2[%dma_wait3A_138] : memref<3200000xi32, #tpu.memory_space<hbm>> -> memref<3200xi32, #tpu.memory_space<hbm>>
    tpu.wait_dma2 semaphore(%arg8 : memref<!tpu.dma_semaphore, #tpu.memory_space<semaphore_mem>>) src(%dma_wait3A_139 : memref<3200xi32, #tpu.memory_space<hbm>>) dst(%dma_wait3A_137 : memref<3200xi32, #tpu.memory_space<vmem>>)
    %dma_wait3A_140 = arith.constant 0 : i32
    %dma_wait3A_141 = arith.constant 0 : i32
    %dma_wait3A_142 = tpu.memref_slice %arg7[%dma_wait3A_140, %dma_wait3A_141] : memref<2x51200xf32, #tpu.memory_space<vmem>> -> memref<1x25600xf32, #tpu.memory_space<vmem>>
    %dma_wait3A_143 = tpu.memref_squeeze %dma_wait3A_142 : memref<1x25600xf32, #tpu.memory_space<vmem>> -> memref<25600xf32, #tpu.memory_space<vmem>>
    %dma_wait3A_144 = arith.constant 0 : i32
    %dma_wait3A_145 = tpu.memref_slice %arg4[%dma_wait3A_144] : memref<51200000xf32, #tpu.memory_space<hbm>> -> memref<25600xf32, #tpu.memory_space<hbm>>
    %dma_wait3A_146 = arith.constant 0 : i32
    %dma_wait3A_147 = tpu.memref_slice %arg4[%dma_wait3A_146] : memref<51200000xf32, #tpu.memory_space<hbm>> -> memref<25600xf32, #tpu.memory_space<hbm>>
    %dma_wait3A_148 = arith.constant 0 : i32
    %dma_wait3A_149 = tpu.memref_slice %arg7[%dma_wait3A_140, %dma_wait3A_148] : memref<2x51200xf32, #tpu.memory_space<vmem>> -> memref<1x25600xf32, #tpu.memory_space<vmem>>
    %dma_wait3A_150 = tpu.memref_squeeze %dma_wait3A_149 : memref<1x25600xf32, #tpu.memory_space<vmem>> -> memref<25600xf32, #tpu.memory_space<vmem>>
    tpu.wait_dma2 semaphore(%arg9 : memref<!tpu.dma_semaphore, #tpu.memory_space<semaphore_mem>>) src(%dma_wait3A_150 : memref<25600xf32, #tpu.memory_space<vmem>>) dst(%dma_wait3A_147 : memref<25600xf32, #tpu.memory_space<hbm>>)
    %dma_wait3A_151 = arith.constant 0 : i32
    %dma_wait3A_152 = arith.constant 25600 : i32
    %dma_wait3A_153 = tpu.memref_slice %arg7[%dma_wait3A_151, %dma_wait3A_152] : memref<2x51200xf32, #tpu.memory_space<vmem>> -> memref<1x25600xf32, #tpu.memory_space<vmem>>
    %dma_wait3A_154 = tpu.memref_squeeze %dma_wait3A_153 : memref<1x25600xf32, #tpu.memory_space<vmem>> -> memref<25600xf32, #tpu.memory_space<vmem>>
    %dma_wait3A_155 = arith.constant 25600 : i32
    %dma_wait3A_156 = tpu.memref_slice %arg4[%dma_wait3A_155] : memref<51200000xf32, #tpu.memory_space<hbm>> -> memref<25600xf32, #tpu.memory_space<hbm>>
    %dma_wait3A_157 = arith.constant 25600 : i32
    %dma_wait3A_158 = tpu.memref_slice %arg4[%dma_wait3A_157] : memref<51200000xf32, #tpu.memory_space<hbm>> -> memref<25600xf32, #tpu.memory_space<hbm>>
    %dma_wait3A_159 = arith.constant 25600 : i32
    %dma_wait3A_160 = tpu.memref_slice %arg7[%dma_wait3A_151, %dma_wait3A_159] : memref<2x51200xf32, #tpu.memory_space<vmem>> -> memref<1x25600xf32, #tpu.memory_space<vmem>>
    %dma_wait3A_161 = tpu.memref_squeeze %dma_wait3A_160 : memref<1x25600xf32, #tpu.memory_space<vmem>> -> memref<25600xf32, #tpu.memory_space<vmem>>
    tpu.wait_dma2 semaphore(%arg9 : memref<!tpu.dma_semaphore, #tpu.memory_space<semaphore_mem>>) src(%dma_wait3A_161 : memref<25600xf32, #tpu.memory_space<vmem>>) dst(%dma_wait3A_158 : memref<25600xf32, #tpu.memory_space<hbm>>)
    %parallel_loop3A = arith.constant 0 : i32
    %parallel_loop3A_162 = arith.constant 200 : i32
    %parallel_loop3A_163 = arith.constant 1 : i32
    %parallel_loop3A_164 = arith.constant 0 : i32
    scf.for %parallel_loop3A_244 = %parallel_loop3A to %parallel_loop3A_162 step %parallel_loop3A_163  : i32 {
      %parallel_loop3A_245 = arith.constant 16 : i32
      %parallel_loop3A_246 = arith.muli %parallel_loop3A_244, %parallel_loop3A_245 : i32
      %parallel_loop3A_247 = arith.constant 0 : i32
      %parallel_loop3A_248 = arith.index_cast %parallel_loop3A_247 : i32 to index
      %parallel_loop3A_249 = arith.index_cast %parallel_loop3A_246 : i32 to index
      %parallel_loop3A_250 = tpu.vector_load %arg6[%parallel_loop3A_248, %parallel_loop3A_249] {strides = array<i32>} : memref<2x3200xi32, #tpu.memory_space<vmem>>, vector<16xi32>,
      %parallel_loop3A_251 = arith.constant 0 : i32
      %parallel_loop3A_252 = vector.broadcast %parallel_loop3A_251 : i32 to vector<16xi32>
      %parallel_loop3A_253 = arith.cmpi ne, %parallel_loop3A_250, %parallel_loop3A_252 : vector<16xi32>
      %parallel_loop3A_254 = arith.constant 8 : i32
      %parallel_loop3A_255 = arith.divsi %parallel_loop3A_244, %parallel_loop3A_254 : i32
      %parallel_loop3A_256 = arith.constant 0 : i32
      %parallel_loop3A_257 = arith.cmpi sgt, %parallel_loop3A_244, %parallel_loop3A_256 : i32
      %parallel_loop3A_258 = arith.extui %parallel_loop3A_257 : i1 to i32
      %parallel_loop3A_259 = arith.constant 0 : i32
      %parallel_loop3A_260 = arith.cmpi slt, %parallel_loop3A_244, %parallel_loop3A_259 : i32
      %parallel_loop3A_261 = arith.extui %parallel_loop3A_260 : i1 to i32
      %parallel_loop3A_262 = arith.subi %parallel_loop3A_258, %parallel_loop3A_261 : i32
      %parallel_loop3A_263 = arith.constant 0 : i32
      %parallel_loop3A_264 = arith.cmpi sgt, %parallel_loop3A_254, %parallel_loop3A_263 : i32
      %parallel_loop3A_265 = arith.extui %parallel_loop3A_264 : i1 to i32
      %parallel_loop3A_266 = arith.constant 0 : i32
      %parallel_loop3A_267 = arith.cmpi slt, %parallel_loop3A_254, %parallel_loop3A_266 : i32
      %parallel_loop3A_268 = arith.extui %parallel_loop3A_267 : i1 to i32
      %parallel_loop3A_269 = arith.subi %parallel_loop3A_265, %parallel_loop3A_268 : i32
      %parallel_loop3A_270 = arith.cmpi ne, %parallel_loop3A_262, %parallel_loop3A_269 : i32
      %parallel_loop3A_271 = arith.remsi %parallel_loop3A_244, %parallel_loop3A_254 : i32
      %parallel_loop3A_272 = arith.constant 0 : i32
      %parallel_loop3A_273 = arith.cmpi ne, %parallel_loop3A_271, %parallel_loop3A_272 : i32
      %parallel_loop3A_274 = arith.andi %parallel_loop3A_270, %parallel_loop3A_273 : i1
      %parallel_loop3A_275 = arith.constant 1 : i32
      %parallel_loop3A_276 = arith.subi %parallel_loop3A_255, %parallel_loop3A_275 : i32
      %parallel_loop3A_277 = arith.select %parallel_loop3A_274, %parallel_loop3A_276, %parallel_loop3A_255 : i32
      %parallel_loop3A_278 = arith.constant 1024 : i32
      %parallel_loop3A_279 = arith.muli %parallel_loop3A_277, %parallel_loop3A_278 : i32
      %parallel_loop3A_280 = arith.constant 8 : i32
      %parallel_loop3A_281 = arith.constant 0 : i32
      %parallel_loop3A_282 = arith.cmpi eq, %parallel_loop3A_280, %parallel_loop3A_281 : i32
      %parallel_loop3A_283 = arith.constant 1 : i32
      %parallel_loop3A_284 = arith.select %parallel_loop3A_282, %parallel_loop3A_283, %parallel_loop3A_280 : i32
      %parallel_loop3A_285 = arith.remsi %parallel_loop3A_244, %parallel_loop3A_284 : i32
      %parallel_loop3A_286 = arith.constant 0 : i32
      %parallel_loop3A_287 = arith.cmpi ne, %parallel_loop3A_285, %parallel_loop3A_286 : i32
      %parallel_loop3A_288 = arith.constant 0 : i32
      %parallel_loop3A_289 = arith.cmpi slt, %parallel_loop3A_285, %parallel_loop3A_288 : i32
      %parallel_loop3A_290 = arith.constant 0 : i32
      %parallel_loop3A_291 = arith.cmpi slt, %parallel_loop3A_284, %parallel_loop3A_290 : i32
      %parallel_loop3A_292 = arith.xori %parallel_loop3A_289, %parallel_loop3A_291 : i1
      %parallel_loop3A_293 = arith.andi %parallel_loop3A_292, %parallel_loop3A_287 : i1
      %parallel_loop3A_294 = arith.addi %parallel_loop3A_285, %parallel_loop3A_284 : i32
      %parallel_loop3A_295 = arith.select %parallel_loop3A_293, %parallel_loop3A_294, %parallel_loop3A_285 : i32
      %parallel_loop3A_296 = arith.constant 16 : i32
      %parallel_loop3A_297 = arith.muli %parallel_loop3A_295, %parallel_loop3A_296 : i32
      %parallel_loop3A_298 = arith.addi %parallel_loop3A_279, %parallel_loop3A_297 : i32
      %parallel_loop3A_299 = arith.constant 0 : i32
      %parallel_loop3A_300 = arith.addi %parallel_loop3A_299, %parallel_loop3A_298 : i32
      %parallel_loop3A_301 = arith.select %parallel_loop3A_253, %broadcast_in_dim3A_55, %broadcast_in_dim3A : vector<16xi1>, vector<16xf32>
      %parallel_loop3A_302 = arith.constant 0 : i32
      %parallel_loop3A_303 = tpu.memref_slice %arg7[%parallel_loop3A_164, %parallel_loop3A_302] : memref<2x51200xf32, #tpu.memory_space<vmem>> -> memref<1x51200xf32, #tpu.memory_space<vmem>>
      %parallel_loop3A_304 = tpu.memref_squeeze %parallel_loop3A_303 : memref<1x51200xf32, #tpu.memory_space<vmem>> -> memref<51200xf32, #tpu.memory_space<vmem>>
      %parallel_loop3A_305 = arith.index_cast %parallel_loop3A_300 : i32 to index
      %parallel_loop3A_306 = tpu.vector_load %parallel_loop3A_304[%parallel_loop3A_305] {strides = array<i32>} : memref<51200xf32, #tpu.memory_space<vmem>>, vector<16xf32>,
      tpu.vector_store %parallel_loop3A_304[%parallel_loop3A_305], %parallel_loop3A_301 {strides = array<i32>} : memref<51200xf32, #tpu.memory_space<vmem>>, vector<16xf32>,
      %parallel_loop3A_307 = arith.constant 128 : i32
      %parallel_loop3A_308 = arith.addi %parallel_loop3A_307, %parallel_loop3A_298 : i32
      %parallel_loop3A_309 = arith.select %parallel_loop3A_253, %broadcast_in_dim3A_58, %broadcast_in_dim3A_10 : vector<16xi1>, vector<16xf32>
      %parallel_loop3A_310 = arith.constant 0 : i32
      %parallel_loop3A_311 = tpu.memref_slice %arg7[%parallel_loop3A_164, %parallel_loop3A_310] : memref<2x51200xf32, #tpu.memory_space<vmem>> -> memref<1x51200xf32, #tpu.memory_space<vmem>>
      %parallel_loop3A_312 = tpu.memref_squeeze %parallel_loop3A_311 : memref<1x51200xf32, #tpu.memory_space<vmem>> -> memref<51200xf32, #tpu.memory_space<vmem>>
      %parallel_loop3A_313 = arith.index_cast %parallel_loop3A_308 : i32 to index
      %parallel_loop3A_314 = tpu.vector_load %parallel_loop3A_312[%parallel_loop3A_313] {strides = array<i32>} : memref<51200xf32, #tpu.memory_space<vmem>>, vector<16xf32>,
      tpu.vector_store %parallel_loop3A_312[%parallel_loop3A_313], %parallel_loop3A_309 {strides = array<i32>} : memref<51200xf32, #tpu.memory_space<vmem>>, vector<16xf32>,
      %parallel_loop3A_315 = arith.constant 256 : i32
      %parallel_loop3A_316 = arith.addi %parallel_loop3A_315, %parallel_loop3A_298 : i32
      %parallel_loop3A_317 = arith.select %parallel_loop3A_253, %broadcast_in_dim3A_61, %broadcast_in_dim3A_13 : vector<16xi1>, vector<16xf32>
      %parallel_loop3A_318 = arith.constant 0 : i32
      %parallel_loop3A_319 = tpu.memref_slice %arg7[%parallel_loop3A_164, %parallel_loop3A_318] : memref<2x51200xf32, #tpu.memory_space<vmem>> -> memref<1x51200xf32, #tpu.memory_space<vmem>>
      %parallel_loop3A_320 = tpu.memref_squeeze %parallel_loop3A_319 : memref<1x51200xf32, #tpu.memory_space<vmem>> -> memref<51200xf32, #tpu.memory_space<vmem>>
      %parallel_loop3A_321 = arith.index_cast %parallel_loop3A_316 : i32 to index
      %parallel_loop3A_322 = tpu.vector_load %parallel_loop3A_320[%parallel_loop3A_321] {strides = array<i32>} : memref<51200xf32, #tpu.memory_space<vmem>>, vector<16xf32>,
      tpu.vector_store %parallel_loop3A_320[%parallel_loop3A_321], %parallel_loop3A_317 {strides = array<i32>} : memref<51200xf32, #tpu.memory_space<vmem>>, vector<16xf32>,
      %parallel_loop3A_323 = arith.constant 384 : i32
      %parallel_loop3A_324 = arith.addi %parallel_loop3A_323, %parallel_loop3A_298 : i32
      %parallel_loop3A_325 = arith.select %parallel_loop3A_253, %broadcast_in_dim3A_64, %broadcast_in_dim3A_16 : vector<16xi1>, vector<16xf32>
      %parallel_loop3A_326 = arith.constant 0 : i32
      %parallel_loop3A_327 = tpu.memref_slice %arg7[%parallel_loop3A_164, %parallel_loop3A_326] : memref<2x51200xf32, #tpu.memory_space<vmem>> -> memref<1x51200xf32, #tpu.memory_space<vmem>>
      %parallel_loop3A_328 = tpu.memref_squeeze %parallel_loop3A_327 : memref<1x51200xf32, #tpu.memory_space<vmem>> -> memref<51200xf32, #tpu.memory_space<vmem>>
      %parallel_loop3A_329 = arith.index_cast %parallel_loop3A_324 : i32 to index
      %parallel_loop3A_330 = tpu.vector_load %parallel_loop3A_328[%parallel_loop3A_329] {strides = array<i32>} : memref<51200xf32, #tpu.memory_space<vmem>>, vector<16xf32>,
      tpu.vector_store %parallel_loop3A_328[%parallel_loop3A_329], %parallel_loop3A_325 {strides = array<i32>} : memref<51200xf32, #tpu.memory_space<vmem>>, vector<16xf32>,
      %parallel_loop3A_331 = arith.constant 512 : i32
      %parallel_loop3A_332 = arith.addi %parallel_loop3A_331, %parallel_loop3A_298 : i32
      %parallel_loop3A_333 = arith.select %parallel_loop3A_253, %broadcast_in_dim3A_67, %broadcast_in_dim3A_19 : vector<16xi1>, vector<16xf32>
      %parallel_loop3A_334 = arith.constant 0 : i32
      %parallel_loop3A_335 = tpu.memref_slice %arg7[%parallel_loop3A_164, %parallel_loop3A_334] : memref<2x51200xf32, #tpu.memory_space<vmem>> -> memref<1x51200xf32, #tpu.memory_space<vmem>>
      %parallel_loop3A_336 = tpu.memref_squeeze %parallel_loop3A_335 : memref<1x51200xf32, #tpu.memory_space<vmem>> -> memref<51200xf32, #tpu.memory_space<vmem>>
      %parallel_loop3A_337 = arith.index_cast %parallel_loop3A_332 : i32 to index
      %parallel_loop3A_338 = tpu.vector_load %parallel_loop3A_336[%parallel_loop3A_337] {strides = array<i32>} : memref<51200xf32, #tpu.memory_space<vmem>>, vector<16xf32>,
      tpu.vector_store %parallel_loop3A_336[%parallel_loop3A_337], %parallel_loop3A_333 {strides = array<i32>} : memref<51200xf32, #tpu.memory_space<vmem>>, vector<16xf32>,
      %parallel_loop3A_339 = arith.constant 640 : i32
      %parallel_loop3A_340 = arith.addi %parallel_loop3A_339, %parallel_loop3A_298 : i32
      %parallel_loop3A_341 = arith.select %parallel_loop3A_253, %broadcast_in_dim3A_70, %broadcast_in_dim3A_22 : vector<16xi1>, vector<16xf32>
      %parallel_loop3A_342 = arith.constant 0 : i32
      %parallel_loop3A_343 = tpu.memref_slice %arg7[%parallel_loop3A_164, %parallel_loop3A_342] : memref<2x51200xf32, #tpu.memory_space<vmem>> -> memref<1x51200xf32, #tpu.memory_space<vmem>>
      %parallel_loop3A_344 = tpu.memref_squeeze %parallel_loop3A_343 : memref<1x51200xf32, #tpu.memory_space<vmem>> -> memref<51200xf32, #tpu.memory_space<vmem>>
      %parallel_loop3A_345 = arith.index_cast %parallel_loop3A_340 : i32 to index
      %parallel_loop3A_346 = tpu.vector_load %parallel_loop3A_344[%parallel_loop3A_345] {strides = array<i32>} : memref<51200xf32, #tpu.memory_space<vmem>>, vector<16xf32>,
      tpu.vector_store %parallel_loop3A_344[%parallel_loop3A_345], %parallel_loop3A_341 {strides = array<i32>} : memref<51200xf32, #tpu.memory_space<vmem>>, vector<16xf32>,
      %parallel_loop3A_347 = arith.constant 768 : i32
      %parallel_loop3A_348 = arith.addi %parallel_loop3A_347, %parallel_loop3A_298 : i32
      %parallel_loop3A_349 = arith.select %parallel_loop3A_253, %broadcast_in_dim3A_73, %broadcast_in_dim3A_25 : vector<16xi1>, vector<16xf32>
      %parallel_loop3A_350 = arith.constant 0 : i32
      %parallel_loop3A_351 = tpu.memref_slice %arg7[%parallel_loop3A_164, %parallel_loop3A_350] : memref<2x51200xf32, #tpu.memory_space<vmem>> -> memref<1x51200xf32, #tpu.memory_space<vmem>>
      %parallel_loop3A_352 = tpu.memref_squeeze %parallel_loop3A_351 : memref<1x51200xf32, #tpu.memory_space<vmem>> -> memref<51200xf32, #tpu.memory_space<vmem>>
      %parallel_loop3A_353 = arith.index_cast %parallel_loop3A_348 : i32 to index
      %parallel_loop3A_354 = tpu.vector_load %parallel_loop3A_352[%parallel_loop3A_353] {strides = array<i32>} : memref<51200xf32, #tpu.memory_space<vmem>>, vector<16xf32>,
      tpu.vector_store %parallel_loop3A_352[%parallel_loop3A_353], %parallel_loop3A_349 {strides = array<i32>} : memref<51200xf32, #tpu.memory_space<vmem>>, vector<16xf32>,
      %parallel_loop3A_355 = arith.constant 896 : i32
      %parallel_loop3A_356 = arith.addi %parallel_loop3A_355, %parallel_loop3A_298 : i32
      %parallel_loop3A_357 = arith.select %parallel_loop3A_253, %broadcast_in_dim3A_76, %broadcast_in_dim3A_28 : vector<16xi1>, vector<16xf32>
      %parallel_loop3A_358 = arith.constant 0 : i32
      %parallel_loop3A_359 = tpu.memref_slice %arg7[%parallel_loop3A_164, %parallel_loop3A_358] : memref<2x51200xf32, #tpu.memory_space<vmem>> -> memref<1x51200xf32, #tpu.memory_space<vmem>>
      %parallel_loop3A_360 = tpu.memref_squeeze %parallel_loop3A_359 : memref<1x51200xf32, #tpu.memory_space<vmem>> -> memref<51200xf32, #tpu.memory_space<vmem>>
      %parallel_loop3A_361 = arith.index_cast %parallel_loop3A_356 : i32 to index
      %parallel_loop3A_362 = tpu.vector_load %parallel_loop3A_360[%parallel_loop3A_361] {strides = array<i32>} : memref<51200xf32, #tpu.memory_space<vmem>>, vector<16xf32>,
      tpu.vector_store %parallel_loop3A_360[%parallel_loop3A_361], %parallel_loop3A_357 {strides = array<i32>} : memref<51200xf32, #tpu.memory_space<vmem>>, vector<16xf32>,
      %parallel_loop3A_363 = arith.constant 25600 : i32
      %parallel_loop3A_364 = arith.addi %parallel_loop3A_363, %parallel_loop3A_298 : i32
      %parallel_loop3A_365 = arith.select %parallel_loop3A_253, %broadcast_in_dim3A_79, %broadcast_in_dim3A_31 : vector<16xi1>, vector<16xf32>
      %parallel_loop3A_366 = arith.constant 0 : i32
      %parallel_loop3A_367 = tpu.memref_slice %arg7[%parallel_loop3A_164, %parallel_loop3A_366] : memref<2x51200xf32, #tpu.memory_space<vmem>> -> memref<1x51200xf32, #tpu.memory_space<vmem>>
      %parallel_loop3A_368 = tpu.memref_squeeze %parallel_loop3A_367 : memref<1x51200xf32, #tpu.memory_space<vmem>> -> memref<51200xf32, #tpu.memory_space<vmem>>
      %parallel_loop3A_369 = arith.index_cast %parallel_loop3A_364 : i32 to index
      %parallel_loop3A_370 = tpu.vector_load %parallel_loop3A_368[%parallel_loop3A_369] {strides = array<i32>} : memref<51200xf32, #tpu.memory_space<vmem>>, vector<16xf32>,
      tpu.vector_store %parallel_loop3A_368[%parallel_loop3A_369], %parallel_loop3A_365 {strides = array<i32>} : memref<51200xf32, #tpu.memory_space<vmem>>, vector<16xf32>,
      %parallel_loop3A_371 = arith.constant 25728 : i32
      %parallel_loop3A_372 = arith.addi %parallel_loop3A_371, %parallel_loop3A_298 : i32
      %parallel_loop3A_373 = arith.select %parallel_loop3A_253, %broadcast_in_dim3A_82, %broadcast_in_dim3A_34 : vector<16xi1>, vector<16xf32>
      %parallel_loop3A_374 = arith.constant 0 : i32
      %parallel_loop3A_375 = tpu.memref_slice %arg7[%parallel_loop3A_164, %parallel_loop3A_374] : memref<2x51200xf32, #tpu.memory_space<vmem>> -> memref<1x51200xf32, #tpu.memory_space<vmem>>
      %parallel_loop3A_376 = tpu.memref_squeeze %parallel_loop3A_375 : memref<1x51200xf32, #tpu.memory_space<vmem>> -> memref<51200xf32, #tpu.memory_space<vmem>>
      %parallel_loop3A_377 = arith.index_cast %parallel_loop3A_372 : i32 to index
      %parallel_loop3A_378 = tpu.vector_load %parallel_loop3A_376[%parallel_loop3A_377] {strides = array<i32>} : memref<51200xf32, #tpu.memory_space<vmem>>, vector<16xf32>,
      tpu.vector_store %parallel_loop3A_376[%parallel_loop3A_377], %parallel_loop3A_373 {strides = array<i32>} : memref<51200xf32, #tpu.memory_space<vmem>>, vector<16xf32>,
      %parallel_loop3A_379 = arith.constant 25856 : i32
      %parallel_loop3A_380 = arith.addi %parallel_loop3A_379, %parallel_loop3A_298 : i32
      %parallel_loop3A_381 = arith.select %parallel_loop3A_253, %broadcast_in_dim3A_85, %broadcast_in_dim3A_37 : vector<16xi1>, vector<16xf32>
      %parallel_loop3A_382 = arith.constant 0 : i32
      %parallel_loop3A_383 = tpu.memref_slice %arg7[%parallel_loop3A_164, %parallel_loop3A_382] : memref<2x51200xf32, #tpu.memory_space<vmem>> -> memref<1x51200xf32, #tpu.memory_space<vmem>>
      %parallel_loop3A_384 = tpu.memref_squeeze %parallel_loop3A_383 : memref<1x51200xf32, #tpu.memory_space<vmem>> -> memref<51200xf32, #tpu.memory_space<vmem>>
      %parallel_loop3A_385 = arith.index_cast %parallel_loop3A_380 : i32 to index
      %parallel_loop3A_386 = tpu.vector_load %parallel_loop3A_384[%parallel_loop3A_385] {strides = array<i32>} : memref<51200xf32, #tpu.memory_space<vmem>>, vector<16xf32>,
      tpu.vector_store %parallel_loop3A_384[%parallel_loop3A_385], %parallel_loop3A_381 {strides = array<i32>} : memref<51200xf32, #tpu.memory_space<vmem>>, vector<16xf32>,
      %parallel_loop3A_387 = arith.constant 25984 : i32
      %parallel_loop3A_388 = arith.addi %parallel_loop3A_387, %parallel_loop3A_298 : i32
      %parallel_loop3A_389 = arith.select %parallel_loop3A_253, %broadcast_in_dim3A_88, %broadcast_in_dim3A_40 : vector<16xi1>, vector<16xf32>
      %parallel_loop3A_390 = arith.constant 0 : i32
      %parallel_loop3A_391 = tpu.memref_slice %arg7[%parallel_loop3A_164, %parallel_loop3A_390] : memref<2x51200xf32, #tpu.memory_space<vmem>> -> memref<1x51200xf32, #tpu.memory_space<vmem>>
      %parallel_loop3A_392 = tpu.memref_squeeze %parallel_loop3A_391 : memref<1x51200xf32, #tpu.memory_space<vmem>> -> memref<51200xf32, #tpu.memory_space<vmem>>
      %parallel_loop3A_393 = arith.index_cast %parallel_loop3A_388 : i32 to index
      %parallel_loop3A_394 = tpu.vector_load %parallel_loop3A_392[%parallel_loop3A_393] {strides = array<i32>} : memref<51200xf32, #tpu.memory_space<vmem>>, vector<16xf32>,
      tpu.vector_store %parallel_loop3A_392[%parallel_loop3A_393], %parallel_loop3A_389 {strides = array<i32>} : memref<51200xf32, #tpu.memory_space<vmem>>, vector<16xf32>,
      %parallel_loop3A_395 = arith.constant 26112 : i32
      %parallel_loop3A_396 = arith.addi %parallel_loop3A_395, %parallel_loop3A_298 : i32
      %parallel_loop3A_397 = arith.select %parallel_loop3A_253, %broadcast_in_dim3A_91, %broadcast_in_dim3A_43 : vector<16xi1>, vector<16xf32>
      %parallel_loop3A_398 = arith.constant 0 : i32
      %parallel_loop3A_399 = tpu.memref_slice %arg7[%parallel_loop3A_164, %parallel_loop3A_398] : memref<2x51200xf32, #tpu.memory_space<vmem>> -> memref<1x51200xf32, #tpu.memory_space<vmem>>
      %parallel_loop3A_400 = tpu.memref_squeeze %parallel_loop3A_399 : memref<1x51200xf32, #tpu.memory_space<vmem>> -> memref<51200xf32, #tpu.memory_space<vmem>>
      %parallel_loop3A_401 = arith.index_cast %parallel_loop3A_396 : i32 to index
      %parallel_loop3A_402 = tpu.vector_load %parallel_loop3A_400[%parallel_loop3A_401] {strides = array<i32>} : memref<51200xf32, #tpu.memory_space<vmem>>, vector<16xf32>,
      tpu.vector_store %parallel_loop3A_400[%parallel_loop3A_401], %parallel_loop3A_397 {strides = array<i32>} : memref<51200xf32, #tpu.memory_space<vmem>>, vector<16xf32>,
      %parallel_loop3A_403 = arith.constant 26240 : i32
      %parallel_loop3A_404 = arith.addi %parallel_loop3A_403, %parallel_loop3A_298 : i32
      %parallel_loop3A_405 = arith.select %parallel_loop3A_253, %broadcast_in_dim3A_94, %broadcast_in_dim3A_46 : vector<16xi1>, vector<16xf32>
      %parallel_loop3A_406 = arith.constant 0 : i32
      %parallel_loop3A_407 = tpu.memref_slice %arg7[%parallel_loop3A_164, %parallel_loop3A_406] : memref<2x51200xf32, #tpu.memory_space<vmem>> -> memref<1x51200xf32, #tpu.memory_space<vmem>>
      %parallel_loop3A_408 = tpu.memref_squeeze %parallel_loop3A_407 : memref<1x51200xf32, #tpu.memory_space<vmem>> -> memref<51200xf32, #tpu.memory_space<vmem>>
      %parallel_loop3A_409 = arith.index_cast %parallel_loop3A_404 : i32 to index
      %parallel_loop3A_410 = tpu.vector_load %parallel_loop3A_408[%parallel_loop3A_409] {strides = array<i32>} : memref<51200xf32, #tpu.memory_space<vmem>>, vector<16xf32>,
      tpu.vector_store %parallel_loop3A_408[%parallel_loop3A_409], %parallel_loop3A_405 {strides = array<i32>} : memref<51200xf32, #tpu.memory_space<vmem>>, vector<16xf32>,
      %parallel_loop3A_411 = arith.constant 26368 : i32
      %parallel_loop3A_412 = arith.addi %parallel_loop3A_411, %parallel_loop3A_298 : i32
      %parallel_loop3A_413 = arith.select %parallel_loop3A_253, %broadcast_in_dim3A_97, %broadcast_in_dim3A_49 : vector<16xi1>, vector<16xf32>
      %parallel_loop3A_414 = arith.constant 0 : i32
      %parallel_loop3A_415 = tpu.memref_slice %arg7[%parallel_loop3A_164, %parallel_loop3A_414] : memref<2x51200xf32, #tpu.memory_space<vmem>> -> memref<1x51200xf32, #tpu.memory_space<vmem>>
      %parallel_loop3A_416 = tpu.memref_squeeze %parallel_loop3A_415 : memref<1x51200xf32, #tpu.memory_space<vmem>> -> memref<51200xf32, #tpu.memory_space<vmem>>
      %parallel_loop3A_417 = arith.index_cast %parallel_loop3A_412 : i32 to index
      %parallel_loop3A_418 = tpu.vector_load %parallel_loop3A_416[%parallel_loop3A_417] {strides = array<i32>} : memref<51200xf32, #tpu.memory_space<vmem>>, vector<16xf32>,
      tpu.vector_store %parallel_loop3A_416[%parallel_loop3A_417], %parallel_loop3A_413 {strides = array<i32>} : memref<51200xf32, #tpu.memory_space<vmem>>, vector<16xf32>,
      %parallel_loop3A_419 = arith.constant 26496 : i32
      %parallel_loop3A_420 = arith.addi %parallel_loop3A_419, %parallel_loop3A_298 : i32
      %parallel_loop3A_421 = arith.select %parallel_loop3A_253, %broadcast_in_dim3A_100, %broadcast_in_dim3A_52 : vector<16xi1>, vector<16xf32>
      %parallel_loop3A_422 = arith.constant 0 : i32
      %parallel_loop3A_423 = tpu.memref_slice %arg7[%parallel_loop3A_164, %parallel_loop3A_422] : memref<2x51200xf32, #tpu.memory_space<vmem>> -> memref<1x51200xf32, #tpu.memory_space<vmem>>
      %parallel_loop3A_424 = tpu.memref_squeeze %parallel_loop3A_423 : memref<1x51200xf32, #tpu.memory_space<vmem>> -> memref<51200xf32, #tpu.memory_space<vmem>>
      %parallel_loop3A_425 = arith.index_cast %parallel_loop3A_420 : i32 to index
      %parallel_loop3A_426 = tpu.vector_load %parallel_loop3A_424[%parallel_loop3A_425] {strides = array<i32>} : memref<51200xf32, #tpu.memory_space<vmem>>, vector<16xf32>,
      tpu.vector_store %parallel_loop3A_424[%parallel_loop3A_425], %parallel_loop3A_421 {strides = array<i32>} : memref<51200xf32, #tpu.memory_space<vmem>>, vector<16xf32>,
    } {sc.loop_unroll_factor = 2 : i64, sc.parallel_access}
    %add3A_165 = arith.constant 960 : i32
    %add3A_166 = arith.addi %add3A, %add3A_165 : i32
    %mul3A_167 = arith.constant 25 : i32
    %mul3A_168 = arith.muli %add3A_166, %mul3A_167 : i32
    %add3A_169 = arith.constant 0 : i32
    %add3A_170 = arith.addi %add3A_169, %mul3A_168 : i32
    %mul3A_171 = arith.constant 1024 : i32
    %mul3A_172 = arith.muli %add3A_170, %mul3A_171 : i32
    %dma_start3A_173 = arith.constant 0 : i32
    %dma_start3A_174 = arith.constant 0 : i32
    %dma_start3A_175 = tpu.memref_slice %arg7[%dma_start3A_173, %dma_start3A_174] : memref<2x51200xf32, #tpu.memory_space<vmem>> -> memref<1x25600xf32, #tpu.memory_space<vmem>>
    %dma_start3A_176 = tpu.memref_squeeze %dma_start3A_175 : memref<1x25600xf32, #tpu.memory_space<vmem>> -> memref<25600xf32, #tpu.memory_space<vmem>>
    %dma_start3A_177 = tpu.memref_slice %arg4[%mul3A_172] : memref<51200000xf32, #tpu.memory_space<hbm>> -> memref<25600xf32, #tpu.memory_space<hbm>>
    %dma_start3A_178 = tpu.memref_slice %arg4[%mul3A_172] : memref<51200000xf32, #tpu.memory_space<hbm>> -> memref<25600xf32, #tpu.memory_space<hbm>>
    %dma_start3A_179 = arith.constant 0 : i32
    %dma_start3A_180 = tpu.memref_slice %arg7[%dma_start3A_173, %dma_start3A_179] : memref<2x51200xf32, #tpu.memory_space<vmem>> -> memref<1x25600xf32, #tpu.memory_space<vmem>>
    %dma_start3A_181 = tpu.memref_squeeze %dma_start3A_180 : memref<1x25600xf32, #tpu.memory_space<vmem>> -> memref<25600xf32, #tpu.memory_space<vmem>>
    tpu.enqueue_dma source(%dma_start3A_181 : memref<25600xf32, #tpu.memory_space<vmem>>) target(%dma_start3A_178 : memref<25600xf32, #tpu.memory_space<hbm>>) target_semaphore(%arg9 : memref<!tpu.dma_semaphore, #tpu.memory_space<semaphore_mem>>)
    %mul3A_182 = arith.constant 25 : i32
    %mul3A_183 = arith.muli %add3A_166, %mul3A_182 : i32
    %add3A_184 = arith.constant 25000 : i32
    %add3A_185 = arith.addi %add3A_184, %mul3A_183 : i32
    %mul3A_186 = arith.constant 1024 : i32
    %mul3A_187 = arith.muli %add3A_185, %mul3A_186 : i32
    %dma_start3A_188 = arith.constant 0 : i32
    %dma_start3A_189 = arith.constant 25600 : i32
    %dma_start3A_190 = tpu.memref_slice %arg7[%dma_start3A_188, %dma_start3A_189] : memref<2x51200xf32, #tpu.memory_space<vmem>> -> memref<1x25600xf32, #tpu.memory_space<vmem>>
    %dma_start3A_191 = tpu.memref_squeeze %dma_start3A_190 : memref<1x25600xf32, #tpu.memory_space<vmem>> -> memref<25600xf32, #tpu.memory_space<vmem>>
    %dma_start3A_192 = tpu.memref_slice %arg4[%mul3A_187] : memref<51200000xf32, #tpu.memory_space<hbm>> -> memref<25600xf32, #tpu.memory_space<hbm>>
    %dma_start3A_193 = tpu.memref_slice %arg4[%mul3A_187] : memref<51200000xf32, #tpu.memory_space<hbm>> -> memref<25600xf32, #tpu.memory_space<hbm>>
    %dma_start3A_194 = arith.constant 25600 : i32
    %dma_start3A_195 = tpu.memref_slice %arg7[%dma_start3A_188, %dma_start3A_194] : memref<2x51200xf32, #tpu.memory_space<vmem>> -> memref<1x25600xf32, #tpu.memory_space<vmem>>
    %dma_start3A_196 = tpu.memref_squeeze %dma_start3A_195 : memref<1x25600xf32, #tpu.memory_space<vmem>> -> memref<25600xf32, #tpu.memory_space<vmem>>
    tpu.enqueue_dma source(%dma_start3A_196 : memref<25600xf32, #tpu.memory_space<vmem>>) target(%dma_start3A_193 : memref<25600xf32, #tpu.memory_space<hbm>>) target_semaphore(%arg9 : memref<!tpu.dma_semaphore, #tpu.memory_space<semaphore_mem>>)
    %lt3A_197 = arith.constant 8 : i32
    %lt3A_198 = arith.cmpi slt, %add3A, %lt3A_197 : i32
    %convert_element_type3A = arith.extui %lt3A_198 : i1 to i32
    %cond3A = arith.constant 0 : i32
    %cond3A_199 = arith.cmpi ne, %convert_element_type3A, %cond3A : i32
    scf.if %cond3A_199 {
      %dma_wait3A_244 = arith.constant 1 : i32
      %dma_wait3A_245 = arith.constant 0 : i32
      %dma_wait3A_246 = tpu.memref_slice %arg6[%dma_wait3A_244, %dma_wait3A_245] : memref<2x3200xi32, #tpu.memory_space<vmem>> -> memref<1x3200xi32, #tpu.memory_space<vmem>>
      %dma_wait3A_247 = tpu.memref_squeeze %dma_wait3A_246 : memref<1x3200xi32, #tpu.memory_space<vmem>> -> memref<3200xi32, #tpu.memory_space<vmem>>
      %dma_wait3A_248 = arith.constant 0 : i32
      %dma_wait3A_249 = tpu.memref_slice %arg2[%dma_wait3A_248] : memref<3200000xi32, #tpu.memory_space<hbm>> -> memref<3200xi32, #tpu.memory_space<hbm>>
      %dma_wait3A_250 = arith.constant 0 : i32
      %dma_wait3A_251 = tpu.memref_slice %arg6[%dma_wait3A_244, %dma_wait3A_250] : memref<2x3200xi32, #tpu.memory_space<vmem>> -> memref<1x3200xi32, #tpu.memory_space<vmem>>
      %dma_wait3A_252 = tpu.memref_squeeze %dma_wait3A_251 : memref<1x3200xi32, #tpu.memory_space<vmem>> -> memref<3200xi32, #tpu.memory_space<vmem>>
      %dma_wait3A_253 = arith.constant 0 : i32
      %dma_wait3A_254 = tpu.memref_slice %arg2[%dma_wait3A_253] : memref<3200000xi32, #tpu.memory_space<hbm>> -> memref<3200xi32, #tpu.memory_space<hbm>>
      tpu.wait_dma2 semaphore(%arg8 : memref<!tpu.dma_semaphore, #tpu.memory_space<semaphore_mem>>) src(%dma_wait3A_254 : memref<3200xi32, #tpu.memory_space<hbm>>) dst(%dma_wait3A_252 : memref<3200xi32, #tpu.memory_space<vmem>>)
      %dma_wait3A_255 = arith.constant 1 : i32
      %dma_wait3A_256 = arith.constant 0 : i32
      %dma_wait3A_257 = tpu.memref_slice %arg7[%dma_wait3A_255, %dma_wait3A_256] : memref<2x51200xf32, #tpu.memory_space<vmem>> -> memref<1x25600xf32, #tpu.memory_space<vmem>>
      %dma_wait3A_258 = tpu.memref_squeeze %dma_wait3A_257 : memref<1x25600xf32, #tpu.memory_space<vmem>> -> memref<25600xf32, #tpu.memory_space<vmem>>
      %dma_wait3A_259 = arith.constant 0 : i32
      %dma_wait3A_260 = tpu.memref_slice %arg4[%dma_wait3A_259] : memref<51200000xf32, #tpu.memory_space<hbm>> -> memref<25600xf32, #tpu.memory_space<hbm>>
      %dma_wait3A_261 = arith.constant 0 : i32
      %dma_wait3A_262 = tpu.memref_slice %arg4[%dma_wait3A_261] : memref<51200000xf32, #tpu.memory_space<hbm>> -> memref<25600xf32, #tpu.memory_space<hbm>>
      %dma_wait3A_263 = arith.constant 0 : i32
      %dma_wait3A_264 = tpu.memref_slice %arg7[%dma_wait3A_255, %dma_wait3A_263] : memref<2x51200xf32, #tpu.memory_space<vmem>> -> memref<1x25600xf32, #tpu.memory_space<vmem>>
      %dma_wait3A_265 = tpu.memref_squeeze %dma_wait3A_264 : memref<1x25600xf32, #tpu.memory_space<vmem>> -> memref<25600xf32, #tpu.memory_space<vmem>>
      tpu.wait_dma2 semaphore(%arg9 : memref<!tpu.dma_semaphore, #tpu.memory_space<semaphore_mem>>) src(%dma_wait3A_265 : memref<25600xf32, #tpu.memory_space<vmem>>) dst(%dma_wait3A_262 : memref<25600xf32, #tpu.memory_space<hbm>>)
      %dma_wait3A_266 = arith.constant 1 : i32
      %dma_wait3A_267 = arith.constant 25600 : i32
      %dma_wait3A_268 = tpu.memref_slice %arg7[%dma_wait3A_266, %dma_wait3A_267] : memref<2x51200xf32, #tpu.memory_space<vmem>> -> memref<1x25600xf32, #tpu.memory_space<vmem>>
      %dma_wait3A_269 = tpu.memref_squeeze %dma_wait3A_268 : memref<1x25600xf32, #tpu.memory_space<vmem>> -> memref<25600xf32, #tpu.memory_space<vmem>>
      %dma_wait3A_270 = arith.constant 25600 : i32
      %dma_wait3A_271 = tpu.memref_slice %arg4[%dma_wait3A_270] : memref<51200000xf32, #tpu.memory_space<hbm>> -> memref<25600xf32, #tpu.memory_space<hbm>>
      %dma_wait3A_272 = arith.constant 25600 : i32
      %dma_wait3A_273 = tpu.memref_slice %arg4[%dma_wait3A_272] : memref<51200000xf32, #tpu.memory_space<hbm>> -> memref<25600xf32, #tpu.memory_space<hbm>>
      %dma_wait3A_274 = arith.constant 25600 : i32
      %dma_wait3A_275 = tpu.memref_slice %arg7[%dma_wait3A_266, %dma_wait3A_274] : memref<2x51200xf32, #tpu.memory_space<vmem>> -> memref<1x25600xf32, #tpu.memory_space<vmem>>
      %dma_wait3A_276 = tpu.memref_squeeze %dma_wait3A_275 : memref<1x25600xf32, #tpu.memory_space<vmem>> -> memref<25600xf32, #tpu.memory_space<vmem>>
      tpu.wait_dma2 semaphore(%arg9 : memref<!tpu.dma_semaphore, #tpu.memory_space<semaphore_mem>>) src(%dma_wait3A_276 : memref<25600xf32, #tpu.memory_space<vmem>>) dst(%dma_wait3A_273 : memref<25600xf32, #tpu.memory_space<hbm>>)
      %parallel_loop3A_277 = arith.constant 0 : i32
      %parallel_loop3A_278 = arith.constant 200 : i32
      %parallel_loop3A_279 = arith.constant 1 : i32
      %parallel_loop3A_280 = arith.constant 1 : i32
      scf.for %parallel_loop3A_313 = %parallel_loop3A_277 to %parallel_loop3A_278 step %parallel_loop3A_279  : i32 {
        %parallel_loop3A_314 = arith.constant 16 : i32
        %parallel_loop3A_315 = arith.muli %parallel_loop3A_313, %parallel_loop3A_314 : i32
        %parallel_loop3A_316 = arith.constant 1 : i32
        %parallel_loop3A_317 = arith.index_cast %parallel_loop3A_316 : i32 to index
        %parallel_loop3A_318 = arith.index_cast %parallel_loop3A_315 : i32 to index
        %parallel_loop3A_319 = tpu.vector_load %arg6[%parallel_loop3A_317, %parallel_loop3A_318] {strides = array<i32>} : memref<2x3200xi32, #tpu.memory_space<vmem>>, vector<16xi32>,
        %parallel_loop3A_320 = arith.constant 0 : i32
        %parallel_loop3A_321 = vector.broadcast %parallel_loop3A_320 : i32 to vector<16xi32>
        %parallel_loop3A_322 = arith.cmpi ne, %parallel_loop3A_319, %parallel_loop3A_321 : vector<16xi32>
        %parallel_loop3A_323 = arith.constant 8 : i32
        %parallel_loop3A_324 = arith.divsi %parallel_loop3A_313, %parallel_loop3A_323 : i32
        %parallel_loop3A_325 = arith.constant 0 : i32
        %parallel_loop3A_326 = arith.cmpi sgt, %parallel_loop3A_313, %parallel_loop3A_325 : i32
        %parallel_loop3A_327 = arith.extui %parallel_loop3A_326 : i1 to i32
        %parallel_loop3A_328 = arith.constant 0 : i32
        %parallel_loop3A_329 = arith.cmpi slt, %parallel_loop3A_313, %parallel_loop3A_328 : i32
        %parallel_loop3A_330 = arith.extui %parallel_loop3A_329 : i1 to i32
        %parallel_loop3A_331 = arith.subi %parallel_loop3A_327, %parallel_loop3A_330 : i32
        %parallel_loop3A_332 = arith.constant 0 : i32
        %parallel_loop3A_333 = arith.cmpi sgt, %parallel_loop3A_323, %parallel_loop3A_332 : i32
        %parallel_loop3A_334 = arith.extui %parallel_loop3A_333 : i1 to i32
        %parallel_loop3A_335 = arith.constant 0 : i32
        %parallel_loop3A_336 = arith.cmpi slt, %parallel_loop3A_323, %parallel_loop3A_335 : i32
        %parallel_loop3A_337 = arith.extui %parallel_loop3A_336 : i1 to i32
        %parallel_loop3A_338 = arith.subi %parallel_loop3A_334, %parallel_loop3A_337 : i32
        %parallel_loop3A_339 = arith.cmpi ne, %parallel_loop3A_331, %parallel_loop3A_338 : i32
        %parallel_loop3A_340 = arith.remsi %parallel_loop3A_313, %parallel_loop3A_323 : i32
        %parallel_loop3A_341 = arith.constant 0 : i32
        %parallel_loop3A_342 = arith.cmpi ne, %parallel_loop3A_340, %parallel_loop3A_341 : i32
        %parallel_loop3A_343 = arith.andi %parallel_loop3A_339, %parallel_loop3A_342 : i1
        %parallel_loop3A_344 = arith.constant 1 : i32
        %parallel_loop3A_345 = arith.subi %parallel_loop3A_324, %parallel_loop3A_344 : i32
        %parallel_loop3A_346 = arith.select %parallel_loop3A_343, %parallel_loop3A_345, %parallel_loop3A_324 : i32
        %parallel_loop3A_347 = arith.constant 1024 : i32
        %parallel_loop3A_348 = arith.muli %parallel_loop3A_346, %parallel_loop3A_347 : i32
        %parallel_loop3A_349 = arith.constant 8 : i32
        %parallel_loop3A_350 = arith.constant 0 : i32
        %parallel_loop3A_351 = arith.cmpi eq, %parallel_loop3A_349, %parallel_loop3A_350 : i32
        %parallel_loop3A_352 = arith.constant 1 : i32
        %parallel_loop3A_353 = arith.select %parallel_loop3A_351, %parallel_loop3A_352, %parallel_loop3A_349 : i32
        %parallel_loop3A_354 = arith.remsi %parallel_loop3A_313, %parallel_loop3A_353 : i32
        %parallel_loop3A_355 = arith.constant 0 : i32
        %parallel_loop3A_356 = arith.cmpi ne, %parallel_loop3A_354, %parallel_loop3A_355 : i32
        %parallel_loop3A_357 = arith.constant 0 : i32
        %parallel_loop3A_358 = arith.cmpi slt, %parallel_loop3A_354, %parallel_loop3A_357 : i32
        %parallel_loop3A_359 = arith.constant 0 : i32
        %parallel_loop3A_360 = arith.cmpi slt, %parallel_loop3A_353, %parallel_loop3A_359 : i32
        %parallel_loop3A_361 = arith.xori %parallel_loop3A_358, %parallel_loop3A_360 : i1
        %parallel_loop3A_362 = arith.andi %parallel_loop3A_361, %parallel_loop3A_356 : i1
        %parallel_loop3A_363 = arith.addi %parallel_loop3A_354, %parallel_loop3A_353 : i32
        %parallel_loop3A_364 = arith.select %parallel_loop3A_362, %parallel_loop3A_363, %parallel_loop3A_354 : i32
        %parallel_loop3A_365 = arith.constant 16 : i32
        %parallel_loop3A_366 = arith.muli %parallel_loop3A_364, %parallel_loop3A_365 : i32
        %parallel_loop3A_367 = arith.addi %parallel_loop3A_348, %parallel_loop3A_366 : i32
        %parallel_loop3A_368 = arith.constant 0 : i32
        %parallel_loop3A_369 = arith.addi %parallel_loop3A_368, %parallel_loop3A_367 : i32
        %parallel_loop3A_370 = arith.select %parallel_loop3A_322, %broadcast_in_dim3A_55, %broadcast_in_dim3A : vector<16xi1>, vector<16xf32>
        %parallel_loop3A_371 = arith.constant 0 : i32
        %parallel_loop3A_372 = tpu.memref_slice %arg7[%parallel_loop3A_280, %parallel_loop3A_371] : memref<2x51200xf32, #tpu.memory_space<vmem>> -> memref<1x51200xf32, #tpu.memory_space<vmem>>
        %parallel_loop3A_373 = tpu.memref_squeeze %parallel_loop3A_372 : memref<1x51200xf32, #tpu.memory_space<vmem>> -> memref<51200xf32, #tpu.memory_space<vmem>>
        %parallel_loop3A_374 = arith.index_cast %parallel_loop3A_369 : i32 to index
        %parallel_loop3A_375 = tpu.vector_load %parallel_loop3A_373[%parallel_loop3A_374] {strides = array<i32>} : memref<51200xf32, #tpu.memory_space<vmem>>, vector<16xf32>,
        tpu.vector_store %parallel_loop3A_373[%parallel_loop3A_374], %parallel_loop3A_370 {strides = array<i32>} : memref<51200xf32, #tpu.memory_space<vmem>>, vector<16xf32>,
        %parallel_loop3A_376 = arith.constant 128 : i32
        %parallel_loop3A_377 = arith.addi %parallel_loop3A_376, %parallel_loop3A_367 : i32
        %parallel_loop3A_378 = arith.select %parallel_loop3A_322, %broadcast_in_dim3A_58, %broadcast_in_dim3A_10 : vector<16xi1>, vector<16xf32>
        %parallel_loop3A_379 = arith.constant 0 : i32
        %parallel_loop3A_380 = tpu.memref_slice %arg7[%parallel_loop3A_280, %parallel_loop3A_379] : memref<2x51200xf32, #tpu.memory_space<vmem>> -> memref<1x51200xf32, #tpu.memory_space<vmem>>
        %parallel_loop3A_381 = tpu.memref_squeeze %parallel_loop3A_380 : memref<1x51200xf32, #tpu.memory_space<vmem>> -> memref<51200xf32, #tpu.memory_space<vmem>>
        %parallel_loop3A_382 = arith.index_cast %parallel_loop3A_377 : i32 to index
        %parallel_loop3A_383 = tpu.vector_load %parallel_loop3A_381[%parallel_loop3A_382] {strides = array<i32>} : memref<51200xf32, #tpu.memory_space<vmem>>, vector<16xf32>,
        tpu.vector_store %parallel_loop3A_381[%parallel_loop3A_382], %parallel_loop3A_378 {strides = array<i32>} : memref<51200xf32, #tpu.memory_space<vmem>>, vector<16xf32>,
        %parallel_loop3A_384 = arith.constant 256 : i32
        %parallel_loop3A_385 = arith.addi %parallel_loop3A_384, %parallel_loop3A_367 : i32
        %parallel_loop3A_386 = arith.select %parallel_loop3A_322, %broadcast_in_dim3A_61, %broadcast_in_dim3A_13 : vector<16xi1>, vector<16xf32>
        %parallel_loop3A_387 = arith.constant 0 : i32
        %parallel_loop3A_388 = tpu.memref_slice %arg7[%parallel_loop3A_280, %parallel_loop3A_387] : memref<2x51200xf32, #tpu.memory_space<vmem>> -> memref<1x51200xf32, #tpu.memory_space<vmem>>
        %parallel_loop3A_389 = tpu.memref_squeeze %parallel_loop3A_388 : memref<1x51200xf32, #tpu.memory_space<vmem>> -> memref<51200xf32, #tpu.memory_space<vmem>>
        %parallel_loop3A_390 = arith.index_cast %parallel_loop3A_385 : i32 to index
        %parallel_loop3A_391 = tpu.vector_load %parallel_loop3A_389[%parallel_loop3A_390] {strides = array<i32>} : memref<51200xf32, #tpu.memory_space<vmem>>, vector<16xf32>,
        tpu.vector_store %parallel_loop3A_389[%parallel_loop3A_390], %parallel_loop3A_386 {strides = array<i32>} : memref<51200xf32, #tpu.memory_space<vmem>>, vector<16xf32>,
        %parallel_loop3A_392 = arith.constant 384 : i32
        %parallel_loop3A_393 = arith.addi %parallel_loop3A_392, %parallel_loop3A_367 : i32
        %parallel_loop3A_394 = arith.select %parallel_loop3A_322, %broadcast_in_dim3A_64, %broadcast_in_dim3A_16 : vector<16xi1>, vector<16xf32>
        %parallel_loop3A_395 = arith.constant 0 : i32
        %parallel_loop3A_396 = tpu.memref_slice %arg7[%parallel_loop3A_280, %parallel_loop3A_395] : memref<2x51200xf32, #tpu.memory_space<vmem>> -> memref<1x51200xf32, #tpu.memory_space<vmem>>
        %parallel_loop3A_397 = tpu.memref_squeeze %parallel_loop3A_396 : memref<1x51200xf32, #tpu.memory_space<vmem>> -> memref<51200xf32, #tpu.memory_space<vmem>>
        %parallel_loop3A_398 = arith.index_cast %parallel_loop3A_393 : i32 to index
        %parallel_loop3A_399 = tpu.vector_load %parallel_loop3A_397[%parallel_loop3A_398] {strides = array<i32>} : memref<51200xf32, #tpu.memory_space<vmem>>, vector<16xf32>,
        tpu.vector_store %parallel_loop3A_397[%parallel_loop3A_398], %parallel_loop3A_394 {strides = array<i32>} : memref<51200xf32, #tpu.memory_space<vmem>>, vector<16xf32>,
        %parallel_loop3A_400 = arith.constant 512 : i32
        %parallel_loop3A_401 = arith.addi %parallel_loop3A_400, %parallel_loop3A_367 : i32
        %parallel_loop3A_402 = arith.select %parallel_loop3A_322, %broadcast_in_dim3A_67, %broadcast_in_dim3A_19 : vector<16xi1>, vector<16xf32>
        %parallel_loop3A_403 = arith.constant 0 : i32
        %parallel_loop3A_404 = tpu.memref_slice %arg7[%parallel_loop3A_280, %parallel_loop3A_403] : memref<2x51200xf32, #tpu.memory_space<vmem>> -> memref<1x51200xf32, #tpu.memory_space<vmem>>
        %parallel_loop3A_405 = tpu.memref_squeeze %parallel_loop3A_404 : memref<1x51200xf32, #tpu.memory_space<vmem>> -> memref<51200xf32, #tpu.memory_space<vmem>>
        %parallel_loop3A_406 = arith.index_cast %parallel_loop3A_401 : i32 to index
        %parallel_loop3A_407 = tpu.vector_load %parallel_loop3A_405[%parallel_loop3A_406] {strides = array<i32>} : memref<51200xf32, #tpu.memory_space<vmem>>, vector<16xf32>,
        tpu.vector_store %parallel_loop3A_405[%parallel_loop3A_406], %parallel_loop3A_402 {strides = array<i32>} : memref<51200xf32, #tpu.memory_space<vmem>>, vector<16xf32>,
        %parallel_loop3A_408 = arith.constant 640 : i32
        %parallel_loop3A_409 = arith.addi %parallel_loop3A_408, %parallel_loop3A_367 : i32
        %parallel_loop3A_410 = arith.select %parallel_loop3A_322, %broadcast_in_dim3A_70, %broadcast_in_dim3A_22 : vector<16xi1>, vector<16xf32>
        %parallel_loop3A_411 = arith.constant 0 : i32
        %parallel_loop3A_412 = tpu.memref_slice %arg7[%parallel_loop3A_280, %parallel_loop3A_411] : memref<2x51200xf32, #tpu.memory_space<vmem>> -> memref<1x51200xf32, #tpu.memory_space<vmem>>
        %parallel_loop3A_413 = tpu.memref_squeeze %parallel_loop3A_412 : memref<1x51200xf32, #tpu.memory_space<vmem>> -> memref<51200xf32, #tpu.memory_space<vmem>>
        %parallel_loop3A_414 = arith.index_cast %parallel_loop3A_409 : i32 to index
        %parallel_loop3A_415 = tpu.vector_load %parallel_loop3A_413[%parallel_loop3A_414] {strides = array<i32>} : memref<51200xf32, #tpu.memory_space<vmem>>, vector<16xf32>,
        tpu.vector_store %parallel_loop3A_413[%parallel_loop3A_414], %parallel_loop3A_410 {strides = array<i32>} : memref<51200xf32, #tpu.memory_space<vmem>>, vector<16xf32>,
        %parallel_loop3A_416 = arith.constant 768 : i32
        %parallel_loop3A_417 = arith.addi %parallel_loop3A_416, %parallel_loop3A_367 : i32
        %parallel_loop3A_418 = arith.select %parallel_loop3A_322, %broadcast_in_dim3A_73, %broadcast_in_dim3A_25 : vector<16xi1>, vector<16xf32>
        %parallel_loop3A_419 = arith.constant 0 : i32
        %parallel_loop3A_420 = tpu.memref_slice %arg7[%parallel_loop3A_280, %parallel_loop3A_419] : memref<2x51200xf32, #tpu.memory_space<vmem>> -> memref<1x51200xf32, #tpu.memory_space<vmem>>
        %parallel_loop3A_421 = tpu.memref_squeeze %parallel_loop3A_420 : memref<1x51200xf32, #tpu.memory_space<vmem>> -> memref<51200xf32, #tpu.memory_space<vmem>>
        %parallel_loop3A_422 = arith.index_cast %parallel_loop3A_417 : i32 to index
        %parallel_loop3A_423 = tpu.vector_load %parallel_loop3A_421[%parallel_loop3A_422] {strides = array<i32>} : memref<51200xf32, #tpu.memory_space<vmem>>, vector<16xf32>,
        tpu.vector_store %parallel_loop3A_421[%parallel_loop3A_422], %parallel_loop3A_418 {strides = array<i32>} : memref<51200xf32, #tpu.memory_space<vmem>>, vector<16xf32>,
        %parallel_loop3A_424 = arith.constant 896 : i32
        %parallel_loop3A_425 = arith.addi %parallel_loop3A_424, %parallel_loop3A_367 : i32
        %parallel_loop3A_426 = arith.select %parallel_loop3A_322, %broadcast_in_dim3A_76, %broadcast_in_dim3A_28 : vector<16xi1>, vector<16xf32>
        %parallel_loop3A_427 = arith.constant 0 : i32
        %parallel_loop3A_428 = tpu.memref_slice %arg7[%parallel_loop3A_280, %parallel_loop3A_427] : memref<2x51200xf32, #tpu.memory_space<vmem>> -> memref<1x51200xf32, #tpu.memory_space<vmem>>
        %parallel_loop3A_429 = tpu.memref_squeeze %parallel_loop3A_428 : memref<1x51200xf32, #tpu.memory_space<vmem>> -> memref<51200xf32, #tpu.memory_space<vmem>>
        %parallel_loop3A_430 = arith.index_cast %parallel_loop3A_425 : i32 to index
        %parallel_loop3A_431 = tpu.vector_load %parallel_loop3A_429[%parallel_loop3A_430] {strides = array<i32>} : memref<51200xf32, #tpu.memory_space<vmem>>, vector<16xf32>,
        tpu.vector_store %parallel_loop3A_429[%parallel_loop3A_430], %parallel_loop3A_426 {strides = array<i32>} : memref<51200xf32, #tpu.memory_space<vmem>>, vector<16xf32>,
        %parallel_loop3A_432 = arith.constant 25600 : i32
        %parallel_loop3A_433 = arith.addi %parallel_loop3A_432, %parallel_loop3A_367 : i32
        %parallel_loop3A_434 = arith.select %parallel_loop3A_322, %broadcast_in_dim3A_79, %broadcast_in_dim3A_31 : vector<16xi1>, vector<16xf32>
        %parallel_loop3A_435 = arith.constant 0 : i32
        %parallel_loop3A_436 = tpu.memref_slice %arg7[%parallel_loop3A_280, %parallel_loop3A_435] : memref<2x51200xf32, #tpu.memory_space<vmem>> -> memref<1x51200xf32, #tpu.memory_space<vmem>>
        %parallel_loop3A_437 = tpu.memref_squeeze %parallel_loop3A_436 : memref<1x51200xf32, #tpu.memory_space<vmem>> -> memref<51200xf32, #tpu.memory_space<vmem>>
        %parallel_loop3A_438 = arith.index_cast %parallel_loop3A_433 : i32 to index
        %parallel_loop3A_439 = tpu.vector_load %parallel_loop3A_437[%parallel_loop3A_438] {strides = array<i32>} : memref<51200xf32, #tpu.memory_space<vmem>>, vector<16xf32>,
        tpu.vector_store %parallel_loop3A_437[%parallel_loop3A_438], %parallel_loop3A_434 {strides = array<i32>} : memref<51200xf32, #tpu.memory_space<vmem>>, vector<16xf32>,
        %parallel_loop3A_440 = arith.constant 25728 : i32
        %parallel_loop3A_441 = arith.addi %parallel_loop3A_440, %parallel_loop3A_367 : i32
        %parallel_loop3A_442 = arith.select %parallel_loop3A_322, %broadcast_in_dim3A_82, %broadcast_in_dim3A_34 : vector<16xi1>, vector<16xf32>
        %parallel_loop3A_443 = arith.constant 0 : i32
        %parallel_loop3A_444 = tpu.memref_slice %arg7[%parallel_loop3A_280, %parallel_loop3A_443] : memref<2x51200xf32, #tpu.memory_space<vmem>> -> memref<1x51200xf32, #tpu.memory_space<vmem>>
        %parallel_loop3A_445 = tpu.memref_squeeze %parallel_loop3A_444 : memref<1x51200xf32, #tpu.memory_space<vmem>> -> memref<51200xf32, #tpu.memory_space<vmem>>
        %parallel_loop3A_446 = arith.index_cast %parallel_loop3A_441 : i32 to index
        %parallel_loop3A_447 = tpu.vector_load %parallel_loop3A_445[%parallel_loop3A_446] {strides = array<i32>} : memref<51200xf32, #tpu.memory_space<vmem>>, vector<16xf32>,
        tpu.vector_store %parallel_loop3A_445[%parallel_loop3A_446], %parallel_loop3A_442 {strides = array<i32>} : memref<51200xf32, #tpu.memory_space<vmem>>, vector<16xf32>,
        %parallel_loop3A_448 = arith.constant 25856 : i32
        %parallel_loop3A_449 = arith.addi %parallel_loop3A_448, %parallel_loop3A_367 : i32
        %parallel_loop3A_450 = arith.select %parallel_loop3A_322, %broadcast_in_dim3A_85, %broadcast_in_dim3A_37 : vector<16xi1>, vector<16xf32>
        %parallel_loop3A_451 = arith.constant 0 : i32
        %parallel_loop3A_452 = tpu.memref_slice %arg7[%parallel_loop3A_280, %parallel_loop3A_451] : memref<2x51200xf32, #tpu.memory_space<vmem>> -> memref<1x51200xf32, #tpu.memory_space<vmem>>
        %parallel_loop3A_453 = tpu.memref_squeeze %parallel_loop3A_452 : memref<1x51200xf32, #tpu.memory_space<vmem>> -> memref<51200xf32, #tpu.memory_space<vmem>>
        %parallel_loop3A_454 = arith.index_cast %parallel_loop3A_449 : i32 to index
        %parallel_loop3A_455 = tpu.vector_load %parallel_loop3A_453[%parallel_loop3A_454] {strides = array<i32>} : memref<51200xf32, #tpu.memory_space<vmem>>, vector<16xf32>,
        tpu.vector_store %parallel_loop3A_453[%parallel_loop3A_454], %parallel_loop3A_450 {strides = array<i32>} : memref<51200xf32, #tpu.memory_space<vmem>>, vector<16xf32>,
        %parallel_loop3A_456 = arith.constant 25984 : i32
        %parallel_loop3A_457 = arith.addi %parallel_loop3A_456, %parallel_loop3A_367 : i32
        %parallel_loop3A_458 = arith.select %parallel_loop3A_322, %broadcast_in_dim3A_88, %broadcast_in_dim3A_40 : vector<16xi1>, vector<16xf32>
        %parallel_loop3A_459 = arith.constant 0 : i32
        %parallel_loop3A_460 = tpu.memref_slice %arg7[%parallel_loop3A_280, %parallel_loop3A_459] : memref<2x51200xf32, #tpu.memory_space<vmem>> -> memref<1x51200xf32, #tpu.memory_space<vmem>>
        %parallel_loop3A_461 = tpu.memref_squeeze %parallel_loop3A_460 : memref<1x51200xf32, #tpu.memory_space<vmem>> -> memref<51200xf32, #tpu.memory_space<vmem>>
        %parallel_loop3A_462 = arith.index_cast %parallel_loop3A_457 : i32 to index
        %parallel_loop3A_463 = tpu.vector_load %parallel_loop3A_461[%parallel_loop3A_462] {strides = array<i32>} : memref<51200xf32, #tpu.memory_space<vmem>>, vector<16xf32>,
        tpu.vector_store %parallel_loop3A_461[%parallel_loop3A_462], %parallel_loop3A_458 {strides = array<i32>} : memref<51200xf32, #tpu.memory_space<vmem>>, vector<16xf32>,
        %parallel_loop3A_464 = arith.constant 26112 : i32
        %parallel_loop3A_465 = arith.addi %parallel_loop3A_464, %parallel_loop3A_367 : i32
        %parallel_loop3A_466 = arith.select %parallel_loop3A_322, %broadcast_in_dim3A_91, %broadcast_in_dim3A_43 : vector<16xi1>, vector<16xf32>
        %parallel_loop3A_467 = arith.constant 0 : i32
        %parallel_loop3A_468 = tpu.memref_slice %arg7[%parallel_loop3A_280, %parallel_loop3A_467] : memref<2x51200xf32, #tpu.memory_space<vmem>> -> memref<1x51200xf32, #tpu.memory_space<vmem>>
        %parallel_loop3A_469 = tpu.memref_squeeze %parallel_loop3A_468 : memref<1x51200xf32, #tpu.memory_space<vmem>> -> memref<51200xf32, #tpu.memory_space<vmem>>
        %parallel_loop3A_470 = arith.index_cast %parallel_loop3A_465 : i32 to index
        %parallel_loop3A_471 = tpu.vector_load %parallel_loop3A_469[%parallel_loop3A_470] {strides = array<i32>} : memref<51200xf32, #tpu.memory_space<vmem>>, vector<16xf32>,
        tpu.vector_store %parallel_loop3A_469[%parallel_loop3A_470], %parallel_loop3A_466 {strides = array<i32>} : memref<51200xf32, #tpu.memory_space<vmem>>, vector<16xf32>,
        %parallel_loop3A_472 = arith.constant 26240 : i32
        %parallel_loop3A_473 = arith.addi %parallel_loop3A_472, %parallel_loop3A_367 : i32
        %parallel_loop3A_474 = arith.select %parallel_loop3A_322, %broadcast_in_dim3A_94, %broadcast_in_dim3A_46 : vector<16xi1>, vector<16xf32>
        %parallel_loop3A_475 = arith.constant 0 : i32
        %parallel_loop3A_476 = tpu.memref_slice %arg7[%parallel_loop3A_280, %parallel_loop3A_475] : memref<2x51200xf32, #tpu.memory_space<vmem>> -> memref<1x51200xf32, #tpu.memory_space<vmem>>
        %parallel_loop3A_477 = tpu.memref_squeeze %parallel_loop3A_476 : memref<1x51200xf32, #tpu.memory_space<vmem>> -> memref<51200xf32, #tpu.memory_space<vmem>>
        %parallel_loop3A_478 = arith.index_cast %parallel_loop3A_473 : i32 to index
        %parallel_loop3A_479 = tpu.vector_load %parallel_loop3A_477[%parallel_loop3A_478] {strides = array<i32>} : memref<51200xf32, #tpu.memory_space<vmem>>, vector<16xf32>,
        tpu.vector_store %parallel_loop3A_477[%parallel_loop3A_478], %parallel_loop3A_474 {strides = array<i32>} : memref<51200xf32, #tpu.memory_space<vmem>>, vector<16xf32>,
        %parallel_loop3A_480 = arith.constant 26368 : i32
        %parallel_loop3A_481 = arith.addi %parallel_loop3A_480, %parallel_loop3A_367 : i32
        %parallel_loop3A_482 = arith.select %parallel_loop3A_322, %broadcast_in_dim3A_97, %broadcast_in_dim3A_49 : vector<16xi1>, vector<16xf32>
        %parallel_loop3A_483 = arith.constant 0 : i32
        %parallel_loop3A_484 = tpu.memref_slice %arg7[%parallel_loop3A_280, %parallel_loop3A_483] : memref<2x51200xf32, #tpu.memory_space<vmem>> -> memref<1x51200xf32, #tpu.memory_space<vmem>>
        %parallel_loop3A_485 = tpu.memref_squeeze %parallel_loop3A_484 : memref<1x51200xf32, #tpu.memory_space<vmem>> -> memref<51200xf32, #tpu.memory_space<vmem>>
        %parallel_loop3A_486 = arith.index_cast %parallel_loop3A_481 : i32 to index
        %parallel_loop3A_487 = tpu.vector_load %parallel_loop3A_485[%parallel_loop3A_486] {strides = array<i32>} : memref<51200xf32, #tpu.memory_space<vmem>>, vector<16xf32>,
        tpu.vector_store %parallel_loop3A_485[%parallel_loop3A_486], %parallel_loop3A_482 {strides = array<i32>} : memref<51200xf32, #tpu.memory_space<vmem>>, vector<16xf32>,
        %parallel_loop3A_488 = arith.constant 26496 : i32
        %parallel_loop3A_489 = arith.addi %parallel_loop3A_488, %parallel_loop3A_367 : i32
        %parallel_loop3A_490 = arith.select %parallel_loop3A_322, %broadcast_in_dim3A_100, %broadcast_in_dim3A_52 : vector<16xi1>, vector<16xf32>
        %parallel_loop3A_491 = arith.constant 0 : i32
        %parallel_loop3A_492 = tpu.memref_slice %arg7[%parallel_loop3A_280, %parallel_loop3A_491] : memref<2x51200xf32, #tpu.memory_space<vmem>> -> memref<1x51200xf32, #tpu.memory_space<vmem>>
        %parallel_loop3A_493 = tpu.memref_squeeze %parallel_loop3A_492 : memref<1x51200xf32, #tpu.memory_space<vmem>> -> memref<51200xf32, #tpu.memory_space<vmem>>
        %parallel_loop3A_494 = arith.index_cast %parallel_loop3A_489 : i32 to index
        %parallel_loop3A_495 = tpu.vector_load %parallel_loop3A_493[%parallel_loop3A_494] {strides = array<i32>} : memref<51200xf32, #tpu.memory_space<vmem>>, vector<16xf32>,
        tpu.vector_store %parallel_loop3A_493[%parallel_loop3A_494], %parallel_loop3A_490 {strides = array<i32>} : memref<51200xf32, #tpu.memory_space<vmem>>, vector<16xf32>,
      } {sc.loop_unroll_factor = 2 : i64, sc.parallel_access}
      %add3A_281 = arith.constant 992 : i32
      %add3A_282 = arith.addi %add3A, %add3A_281 : i32
      %mul3A_283 = arith.constant 25 : i32
      %mul3A_284 = arith.muli %add3A_282, %mul3A_283 : i32
      %add3A_285 = arith.constant 0 : i32
      %add3A_286 = arith.addi %add3A_285, %mul3A_284 : i32
      %mul3A_287 = arith.constant 1024 : i32
      %mul3A_288 = arith.muli %add3A_286, %mul3A_287 : i32
      %dma_start3A_289 = arith.constant 1 : i32
      %dma_start3A_290 = arith.constant 0 : i32
      %dma_start3A_291 = tpu.memref_slice %arg7[%dma_start3A_289, %dma_start3A_290] : memref<2x51200xf32, #tpu.memory_space<vmem>> -> memref<1x25600xf32, #tpu.memory_space<vmem>>
      %dma_start3A_292 = tpu.memref_squeeze %dma_start3A_291 : memref<1x25600xf32, #tpu.memory_space<vmem>> -> memref<25600xf32, #tpu.memory_space<vmem>>
      %dma_start3A_293 = tpu.memref_slice %arg4[%mul3A_288] : memref<51200000xf32, #tpu.memory_space<hbm>> -> memref<25600xf32, #tpu.memory_space<hbm>>
      %dma_start3A_294 = tpu.memref_slice %arg4[%mul3A_288] : memref<51200000xf32, #tpu.memory_space<hbm>> -> memref<25600xf32, #tpu.memory_space<hbm>>
      %dma_start3A_295 = arith.constant 0 : i32
      %dma_start3A_296 = tpu.memref_slice %arg7[%dma_start3A_289, %dma_start3A_295] : memref<2x51200xf32, #tpu.memory_space<vmem>> -> memref<1x25600xf32, #tpu.memory_space<vmem>>
      %dma_start3A_297 = tpu.memref_squeeze %dma_start3A_296 : memref<1x25600xf32, #tpu.memory_space<vmem>> -> memref<25600xf32, #tpu.memory_space<vmem>>
      tpu.enqueue_dma source(%dma_start3A_297 : memref<25600xf32, #tpu.memory_space<vmem>>) target(%dma_start3A_294 : memref<25600xf32, #tpu.memory_space<hbm>>) target_semaphore(%arg9 : memref<!tpu.dma_semaphore, #tpu.memory_space<semaphore_mem>>)
      %mul3A_298 = arith.constant 25 : i32
      %mul3A_299 = arith.muli %add3A_282, %mul3A_298 : i32
      %add3A_300 = arith.constant 25000 : i32
      %add3A_301 = arith.addi %add3A_300, %mul3A_299 : i32
      %mul3A_302 = arith.constant 1024 : i32
      %mul3A_303 = arith.muli %add3A_301, %mul3A_302 : i32
      %dma_start3A_304 = arith.constant 1 : i32
      %dma_start3A_305 = arith.constant 25600 : i32
      %dma_start3A_306 = tpu.memref_slice %arg7[%dma_start3A_304, %dma_start3A_305] : memref<2x51200xf32, #tpu.memory_space<vmem>> -> memref<1x25600xf32, #tpu.memory_space<vmem>>
      %dma_start3A_307 = tpu.memref_squeeze %dma_start3A_306 : memref<1x25600xf32, #tpu.memory_space<vmem>> -> memref<25600xf32, #tpu.memory_space<vmem>>
      %dma_start3A_308 = tpu.memref_slice %arg4[%mul3A_303] : memref<51200000xf32, #tpu.memory_space<hbm>> -> memref<25600xf32, #tpu.memory_space<hbm>>
      %dma_start3A_309 = tpu.memref_slice %arg4[%mul3A_303] : memref<51200000xf32, #tpu.memory_space<hbm>> -> memref<25600xf32, #tpu.memory_space<hbm>>
      %dma_start3A_310 = arith.constant 25600 : i32
      %dma_start3A_311 = tpu.memref_slice %arg7[%dma_start3A_304, %dma_start3A_310] : memref<2x51200xf32, #tpu.memory_space<vmem>> -> memref<1x25600xf32, #tpu.memory_space<vmem>>
      %dma_start3A_312 = tpu.memref_squeeze %dma_start3A_311 : memref<1x25600xf32, #tpu.memory_space<vmem>> -> memref<25600xf32, #tpu.memory_space<vmem>>
      tpu.enqueue_dma source(%dma_start3A_312 : memref<25600xf32, #tpu.memory_space<vmem>>) target(%dma_start3A_309 : memref<25600xf32, #tpu.memory_space<hbm>>) target_semaphore(%arg9 : memref<!tpu.dma_semaphore, #tpu.memory_space<semaphore_mem>>)
    } else {
    }
    %dma_wait3A_200 = arith.constant 0 : i32
    %dma_wait3A_201 = arith.constant 0 : i32
    %dma_wait3A_202 = tpu.memref_slice %arg7[%dma_wait3A_200, %dma_wait3A_201] : memref<2x51200xf32, #tpu.memory_space<vmem>> -> memref<1x25600xf32, #tpu.memory_space<vmem>>
    %dma_wait3A_203 = tpu.memref_squeeze %dma_wait3A_202 : memref<1x25600xf32, #tpu.memory_space<vmem>> -> memref<25600xf32, #tpu.memory_space<vmem>>
    %dma_wait3A_204 = arith.constant 0 : i32
    %dma_wait3A_205 = tpu.memref_slice %arg4[%dma_wait3A_204] : memref<51200000xf32, #tpu.memory_space<hbm>> -> memref<25600xf32, #tpu.memory_space<hbm>>
    %dma_wait3A_206 = arith.constant 0 : i32
    %dma_wait3A_207 = tpu.memref_slice %arg4[%dma_wait3A_206] : memref<51200000xf32, #tpu.memory_space<hbm>> -> memref<25600xf32, #tpu.memory_space<hbm>>
    %dma_wait3A_208 = arith.constant 0 : i32
    %dma_wait3A_209 = tpu.memref_slice %arg7[%dma_wait3A_200, %dma_wait3A_208] : memref<2x51200xf32, #tpu.memory_space<vmem>> -> memref<1x25600xf32, #tpu.memory_space<vmem>>
    %dma_wait3A_210 = tpu.memref_squeeze %dma_wait3A_209 : memref<1x25600xf32, #tpu.memory_space<vmem>> -> memref<25600xf32, #tpu.memory_space<vmem>>
    tpu.wait_dma2 semaphore(%arg9 : memref<!tpu.dma_semaphore, #tpu.memory_space<semaphore_mem>>) src(%dma_wait3A_210 : memref<25600xf32, #tpu.memory_space<vmem>>) dst(%dma_wait3A_207 : memref<25600xf32, #tpu.memory_space<hbm>>)
    %dma_wait3A_211 = arith.constant 0 : i32
    %dma_wait3A_212 = arith.constant 25600 : i32
    %dma_wait3A_213 = tpu.memref_slice %arg7[%dma_wait3A_211, %dma_wait3A_212] : memref<2x51200xf32, #tpu.memory_space<vmem>> -> memref<1x25600xf32, #tpu.memory_space<vmem>>
    %dma_wait3A_214 = tpu.memref_squeeze %dma_wait3A_213 : memref<1x25600xf32, #tpu.memory_space<vmem>> -> memref<25600xf32, #tpu.memory_space<vmem>>
    %dma_wait3A_215 = arith.constant 25600 : i32
    %dma_wait3A_216 = tpu.memref_slice %arg4[%dma_wait3A_215] : memref<51200000xf32, #tpu.memory_space<hbm>> -> memref<25600xf32, #tpu.memory_space<hbm>>
    %dma_wait3A_217 = arith.constant 25600 : i32
    %dma_wait3A_218 = tpu.memref_slice %arg4[%dma_wait3A_217] : memref<51200000xf32, #tpu.memory_space<hbm>> -> memref<25600xf32, #tpu.memory_space<hbm>>
    %dma_wait3A_219 = arith.constant 25600 : i32
    %dma_wait3A_220 = tpu.memref_slice %arg7[%dma_wait3A_211, %dma_wait3A_219] : memref<2x51200xf32, #tpu.memory_space<vmem>> -> memref<1x25600xf32, #tpu.memory_space<vmem>>
    %dma_wait3A_221 = tpu.memref_squeeze %dma_wait3A_220 : memref<1x25600xf32, #tpu.memory_space<vmem>> -> memref<25600xf32, #tpu.memory_space<vmem>>
    tpu.wait_dma2 semaphore(%arg9 : memref<!tpu.dma_semaphore, #tpu.memory_space<semaphore_mem>>) src(%dma_wait3A_221 : memref<25600xf32, #tpu.memory_space<vmem>>) dst(%dma_wait3A_218 : memref<25600xf32, #tpu.memory_space<hbm>>)
    %dma_wait3A_222 = arith.constant 1 : i32
    %dma_wait3A_223 = arith.constant 0 : i32
    %dma_wait3A_224 = tpu.memref_slice %arg7[%dma_wait3A_222, %dma_wait3A_223] : memref<2x51200xf32, #tpu.memory_space<vmem>> -> memref<1x25600xf32, #tpu.memory_space<vmem>>
    %dma_wait3A_225 = tpu.memref_squeeze %dma_wait3A_224 : memref<1x25600xf32, #tpu.memory_space<vmem>> -> memref<25600xf32, #tpu.memory_space<vmem>>
    %dma_wait3A_226 = arith.constant 0 : i32
    %dma_wait3A_227 = tpu.memref_slice %arg4[%dma_wait3A_226] : memref<51200000xf32, #tpu.memory_space<hbm>> -> memref<25600xf32, #tpu.memory_space<hbm>>
    %dma_wait3A_228 = arith.constant 0 : i32
    %dma_wait3A_229 = tpu.memref_slice %arg4[%dma_wait3A_228] : memref<51200000xf32, #tpu.memory_space<hbm>> -> memref<25600xf32, #tpu.memory_space<hbm>>
    %dma_wait3A_230 = arith.constant 0 : i32
    %dma_wait3A_231 = tpu.memref_slice %arg7[%dma_wait3A_222, %dma_wait3A_230] : memref<2x51200xf32, #tpu.memory_space<vmem>> -> memref<1x25600xf32, #tpu.memory_space<vmem>>
    %dma_wait3A_232 = tpu.memref_squeeze %dma_wait3A_231 : memref<1x25600xf32, #tpu.memory_space<vmem>> -> memref<25600xf32, #tpu.memory_space<vmem>>
    tpu.wait_dma2 semaphore(%arg9 : memref<!tpu.dma_semaphore, #tpu.memory_space<semaphore_mem>>) src(%dma_wait3A_232 : memref<25600xf32, #tpu.memory_space<vmem>>) dst(%dma_wait3A_229 : memref<25600xf32, #tpu.memory_space<hbm>>)
    %dma_wait3A_233 = arith.constant 1 : i32
    %dma_wait3A_234 = arith.constant 25600 : i32
    %dma_wait3A_235 = tpu.memref_slice %arg7[%dma_wait3A_233, %dma_wait3A_234] : memref<2x51200xf32, #tpu.memory_space<vmem>> -> memref<1x25600xf32, #tpu.memory_space<vmem>>
    %dma_wait3A_236 = tpu.memref_squeeze %dma_wait3A_235 : memref<1x25600xf32, #tpu.memory_space<vmem>> -> memref<25600xf32, #tpu.memory_space<vmem>>
    %dma_wait3A_237 = arith.constant 25600 : i32
    %dma_wait3A_238 = tpu.memref_slice %arg4[%dma_wait3A_237] : memref<51200000xf32, #tpu.memory_space<hbm>> -> memref<25600xf32, #tpu.memory_space<hbm>>
    %dma_wait3A_239 = arith.constant 25600 : i32
    %dma_wait3A_240 = tpu.memref_slice %arg4[%dma_wait3A_239] : memref<51200000xf32, #tpu.memory_space<hbm>> -> memref<25600xf32, #tpu.memory_space<hbm>>
    %dma_wait3A_241 = arith.constant 25600 : i32
    %dma_wait3A_242 = tpu.memref_slice %arg7[%dma_wait3A_233, %dma_wait3A_241] : memref<2x51200xf32, #tpu.memory_space<vmem>> -> memref<1x25600xf32, #tpu.memory_space<vmem>>
    %dma_wait3A_243 = tpu.memref_squeeze %dma_wait3A_242 : memref<1x25600xf32, #tpu.memory_space<vmem>> -> memref<25600xf32, #tpu.memory_space<vmem>>
    tpu.wait_dma2 semaphore(%arg9 : memref<!tpu.dma_semaphore, #tpu.memory_space<semaphore_mem>>) src(%dma_wait3A_243 : memref<25600xf32, #tpu.memory_space<vmem>>) dst(%dma_wait3A_240 : memref<25600xf32, #tpu.memory_space<hbm>>)
    return
  }
}

</mosaic_0001>

<sc_bundles>
// kernel: kernel.3.cloned.1.call-start
scs
__scs_entry_jumppad:
0x0: {  	(pc) =	sbr.rel $0x88, $3  }
0x1: {  	(tag) =	ssettag $0x0;
	lr =	simm.s32 $0x1  }
0x2: {  	[smem:$0x3F9F] =	sst lr;
	_ =	strace $0xD0000000  }
0x3: {  	_ = 	snop  }
0x4: {  	_ = 	snop  }
0x5: {  	_ = 	snop  }
0x6: {  	_ = 	snop  }
0x7: {  	_ = 	snop  }
__scs_overlays_trampoline_lowered:
0x8: {  	[smem:$0x3FAE] =	sst s0  }
0x9: {  	[smem:$0x3FAF] =	sst s1  }
0xa: {  	[smem:$0x3FB0] =	sst s2  }
0xb: {  	[smem:$0x3FB1] =	sst s3  }
0xc: {  	[smem:$0x3FB2] =	sst s4  }
0xd: {  	[smem:$0x3FB3] =	sst s5  }
0xe: {  	[smem:$0x3FB4] =	sst s6  }
0xf: {  	[smem:$0x3FB5] =	sst s7  }
0x10: {  	[smem:$0x3FB6] =	sst s8  }
0x11: {  	[smem:$0x3FB7] =	sst s9;
	s0 =	simm.s32 @!p0 $0x0  }
0x12: {  	s1 =	sld [smem:$0x3F9D];
	s0 =	simm.s32 @p0 $0x1  }
0x13: {  	[smem:$0x3FB8] =	sst s0;
	s0 =	simm.s32 @!p1 $0x0  }
0x14: {  	s2 =	sld [smem:$0x3F9C];
	s0 =	simm.s32 @p1 $0x1  }
0x15: {  	[smem:$0x3FB9] =	sst s0;
	s0 =	simm.s32 @!p2 $0x0  }
0x16: {  	s3 =	sld [smem:$0x3FDB];
	s0 =	simm.s32 @p2 $0x1  }
0x17: {  	s4 =	simm.s32 $0x1BF5;
	[smem:$0x3FBB] =	sst s0  }
0x18: {  	s0 =	sld [smem:$0x3F9E];
	_ =	swait.ge [sflag:s4], $0x0  }
0x19: {  	s7 =	sld [smem:$0x3F9F]  }
0x1a: {  	s8 =	sadd.s32 $0xFFFFE003, lr  }
0x1b: {  	s9 =	sadd.s32 $0xFFFFFEF7, lr;
	s5 =	simm.s32 $0xFFFFFFFF;
	p2 =	slt.u32 s8, $0xFFFFF086  }
0x1c: {  	p1 =	slt.u32 s9, $0xF7A;
	s5 =	simm.s32 @!p2 $0x0  }
0x1d: {  	s5 =	simm.s32 @p1 $0x1;
	p0 =	seq.s32 s7, s2  }
0x1e: {  	s7 =	smul.u32 @!p0 $0xF7A, s2;
	p2 =	seq.s32 @!p0 s5, $0x0  }
0x1f: {  	s9 =	smul.u32 $0xF7A, s1;
	s8 =	simm.s32 @!p0 $0x1BF5;
	p2 =	por !p2, p0  }
0x20: {  	[sflag:s8] =	ssyncset.s32 @!p0 $0xFFFFF086;
	s6 =	sadd.s32 @!p0 s3, s7;
	s7 =	simm.s32 @!p0 $0x108  }
0x21: {  	s3 =	sadd.s32 s3, s9;
	s6 =	sadd.s32 @!p0 $0x88, s6;
	s7 =	simm.s32 @p2 $0x1082  }
0x22: {  	[simem:s7], [sflag:s8] =	dma.local @!p0 [hbm:s6], $0xF7A  }
0x23: {  	s9 =	sor.u32 $0xD0000000, s2;
	s6 =	simm.s32 $0x108;
	_ =	swait.ge @!p0 [sflag:s8], $0x0  }
0x24: {  	s3 =	sadd.s32 $0x88, s3;
	s6 =	simm.s32 @!p1 $0x1082;
	[sflag:s4] =	ssyncset.s32 $0xFFFFF086  }
0x25: {  	[simem:s6], [sflag:s4] =	dma.local [hbm:s3], $0xF7A  }
0x26: {  	[smem:$0x3F9F] =	sst s1;
	(tag) =	ssettag s2;
	_ =	strace s9  }
0x27: {  	s1 =	sld [smem:$0x3FAF]  }
0x28: {  	s2 =	sld [smem:$0x3FB0]  }
0x29: {  	s4 =	sld [smem:$0x3FB2]  }
0x2a: {  	p0 =	seq.s32 s5, $0x0;
	s5 =	sld [smem:$0x3FB3]  }
0x2b: {  	s6 =	sld [smem:$0x3FB4]  }
0x2c: {  	s7 =	sld [smem:$0x3FB5]  }
0x2d: {  	s3 =	simm.s32 $0x108;
	s8 =	sld [smem:$0x3FB6]  }
0x2e: {  	s3 =	simm.s32 @!p0 $0x1082;
	s9 =	sld [smem:$0x3FB7]  }
0x2f: {  	lr =	sadd.s32 s0, s3;
	s0 =	sld [smem:$0x3FAE]  }
0x30: {  	s3 =	sld [smem:$0x3FB1]  }
0x31: {  	[smem:$0x3FBA] =	sst s10  }
0x32: {  	s10 =	sld [smem:$0x3FB8];
	_ =	sdelay $0x3  }
0x33: {  	p0 =	seq.s32 s10, $0x1;
	s10 =	sld [smem:$0x3FBA];
	_ =	sdelay $0x3  }
0x34: {  	[smem:$0x3FBA] =	sst s10  }
0x35: {  	s10 =	sld [smem:$0x3FB9];
	_ =	sdelay $0x3  }
0x36: {  	p1 =	seq.s32 s10, $0x1;
	s10 =	sld [smem:$0x3FBA];
	_ =	sdelay $0x3  }
0x37: {  	[smem:$0x3FBA] =	sst s10  }
0x38: {  	s10 =	sld [smem:$0x3FBB]  }
0x39: {  	_ = 	snop;
	(pc) =	sbr.ind lr, $3  }
0x3a: {  	_ = 	snop  }
0x3b: {  	_ = 	snop  }
0x3c: {  	p2 =	seq.s32 s10, $0x1;
	s10 =	sld [smem:$0x3FBA]  }
0x3d: {  	_ =	shalt  }
0x3e: {  	_ =	shalt  }
0x3f: {  	_ =	shalt  }
0x40: {  	_ =	shalt  }
0x41: {  	_ =	shalt  }
0x42: {  	_ =	shalt  }
0x43: {  	_ =	shalt  }
0x44: {  	_ =	shalt  }
0x45: {  	_ =	shalt  }
0x46: {  	_ =	shalt  }
0x47: {  	_ =	shalt  }
0x48: {  	_ =	shalt  }
0x49: {  	_ =	shalt  }
0x4a: {  	_ =	shalt  }
0x4b: {  	_ =	shalt  }
0x4c: {  	_ =	shalt  }
0x4d: {  	_ =	shalt  }
0x4e: {  	_ =	shalt  }
0x4f: {  	_ =	shalt  }
0x50: {  	_ =	shalt  }
0x51: {  	_ =	shalt  }
0x52: {  	_ =	shalt  }
0x53: {  	_ =	shalt  }
0x54: {  	_ =	shalt  }
0x55: {  	_ =	shalt  }
0x56: {  	_ =	shalt  }
0x57: {  	_ =	shalt  }
0x58: {  	_ =	shalt  }
0x59: {  	_ =	shalt  }
0x5a: {  	_ =	shalt  }
0x5b: {  	_ =	shalt  }
0x5c: {  	_ =	shalt  }
0x5d: {  	_ =	shalt  }
0x5e: {  	_ =	shalt  }
0x5f: {  	_ =	shalt  }
0x60: {  	_ =	shalt  }
0x61: {  	_ =	shalt  }
0x62: {  	_ =	shalt  }
0x63: {  	_ =	shalt  }
0x64: {  	_ =	shalt  }
0x65: {  	_ =	shalt  }
0x66: {  	_ =	shalt  }
0x67: {  	_ =	shalt  }
0x68: {  	_ =	shalt  }
0x69: {  	_ =	shalt  }
0x6a: {  	_ =	shalt  }
0x6b: {  	_ =	shalt  }
0x6c: {  	_ =	shalt  }
0x6d: {  	_ =	shalt  }
0x6e: {  	_ =	shalt  }
0x6f: {  	_ =	shalt  }
0x70: {  	_ =	shalt  }
0x71: {  	_ =	shalt  }
0x72: {  	_ =	shalt  }
0x73: {  	_ =	shalt  }
0x74: {  	_ =	shalt  }
0x75: {  	_ =	shalt  }
0x76: {  	_ =	shalt  }
0x77: {  	_ =	shalt  }
0x78: {  	_ =	shalt  }
0x79: {  	_ =	shalt  }
0x7a: {  	_ =	shalt  }
0x7b: {  	_ =	shalt  }
0x7c: {  	_ =	shalt  }
0x7d: {  	_ =	shalt  }
0x7e: {  	_ =	shalt  }
0x7f: {  	_ =	shalt  }
0x80: {  	_ =	shalt  }
0x81: {  	_ =	shalt  }
0x82: {  	_ =	shalt  }
0x83: {  	_ =	shalt  }
0x84: {  	_ =	shalt  }
0x85: {  	_ =	shalt  }
0x86: {  	_ =	shalt  }
0x87: {  	_ =	shalt  }
.Lfunc_end0:
.L_simem_size_0:
called_computation_lowered:
.L_overlay_start_0:
0x88: {  	s2 =	sld [smem:$0x3FD9]  }
0x89: {  	s3 =	sld [smem:$0x3FFE];
	_ =	sdelay $0x1  }
0x8a: {  	s1 =	srdreg.scid  }
0x8b: {  	s0 =	sand.u32 $0x1, s1  }
0x8c: {  	s17 =	sshll.u32 s0, $0xA;
	s2 =	sadd.s32 s3, s2  }
0x8d: {  	s2 =	sadd.s32 s2, s17  }
0x8e: {  	[smem:$0x3FC6] =	sst s2  }
0x8f: {  	_ = 	snop  }
0x90: {  	s2 =	sld [smem:$0x3FC9]  }
0x91: {  	s18 =	sld [smem:$0x3FD0];
	(tm) =	ssettm $0x1  }
0x92: {  	s4 =	sld [smem:$0x3FFB];
	_ =	sdelay $0x3  }
0x93: {  	_ =	strace s4  }
0x94: {  	s4 =	sld [smem:$0x3FFC];
	_ =	sdelay $0x3  }
0x95: {  	_ =	strace s4  }
0x96: {  	s4 =	sld [smem:$0x3FFD];
	_ =	sdelay $0x3  }
0x97: {  	_ =	strace s4  }
0x98: {  	_ =	strace $0x8FFFFFFF  }
0x99: {  	s19 =	sld [smem:$0x3FDB];
	_ =	sdelay $0x1  }
0x9a: {  	s5 =	simm.s32 $_scs_section_size  }
0x9b: {  	s6 =	simm.s32 $_size__tile_overlayer_lowered;
	s7 =	simm.s32 $_tile_overlayer_lowered  }
0x9c: {  	s22 =	simm.s32 $0x1BFF;
	s21 =	sshll.u32 s7, $0x1;
	s4 =	sadd.s32 s5, s19  }
0x9d: {  	s8 =	simm.s32 $0x0;
	s20 =	sshll.u32 s6, $0x1;
	s6 =	sadd.s32 s21, s4  }
0x9e: {  	[timem:s8], [sflag:s22] =	dma.local [hbm:s6], s20  }
0x9f: {  	_ =	swait.ge [sflag:s22], s20  }
0xa0: {  	s5 =	ssub.s32 $0x0, s20;
	[sflag:s22] =	ssyncset.done $0x0  }
0xa1: {  	[sflag:s22] =	ssyncadd.s32 s5;
	_ =	sdelay $0x1  }
0xa2: {  	s23 =	simm.s32 $0x1B8B  }
0xa3: {  	_ =	swait.ge [sflag:s23], $0x1  }
0xa4: {  	[sflag:s23] =	ssyncset.done $0x0  }
0xa5: {  	s25 =	simm.s32 $0x1B8E;
	s24 =	sld [smem:$0x3FFE];
	[sflag:s23] =	ssyncadd.s32 $0xFFFFFFFF  }
0xa6: {  	s26 =	simm.s32 $execute0_lowered;
	[smem:$0x3FD2] =	sst s25  }
0xa7: {  	s6 =	sshll.u32 s26, $0x1;
	_ =	strace $0x80000046;
	[dreg:$0x1] =	wrdreg $0xFFFFFFFF  }
0xa8: {  	s28 =	simm.s32 $_size_execute0_lowered;
	s4 =	sadd.s32 s4, s6;
	[dreg:$0x0] =	wrdreg $0x0  }
0xa9: {  	s6 =	sshll.u32 s28, $0x1;
	[dreg:$0x2] =	wrdreg s4  }
0xaa: {  	[dreg:$0x3] =	wrdreg s6  }
0xab: {  	[dreg:$0x4] =	wrdreg $0xC0  }
0xac: {  	_ =	task [dreg:s8], $0x5FFFF  }
0xad: {  	[dreg:$0x1] =	wrdreg $0xFFFFFFFF  }
0xae: {  	[dreg:$0x0] =	wrdreg $0x60  }
0xaf: {  	[dreg:$0x2] =	wrdreg s2  }
0xb0: {  	[dreg:$0x3] =	wrdreg s24  }
0xb1: {  	[dreg:$0x4] =	wrdreg s18  }
0xb2: {  	[dreg:$0x5] =	wrdreg $0x9  }
0xb3: {  	_ =	task.clear_ibuf [dreg:s8], $0x6FFFF;
	_ =	strace $0x90000046  }
0xb4: {  	s29 =	simm.s32 $0x9;
	_ =	strace $0x80000048  }
0xb5: {  	_ =	swait.ge [sflag:s29], $0x1  }
0xb6: {  	[sflag:s29] =	ssyncadd.s32 $0xFFFFFFFF  }
0xb7: {  	_ =	strace $0x90000048  }
0xb8: {  	_ =	sfence  }
0xb9: {  	s30 =	sld [smem:$0x0];
	_ =	sdelay $0x2  }
0xba: {  	s31 =	sshll.u32 s1, $0xD;
	s1 =	sshrl.u32 s1, $0x2  }
0xbb: {  	s3 =	sand.u32 $0x4000, s31;
	s1 =	sadd.s32 s1, s30  }
0xbc: {  	s0 =	sor.u32 s3, s0;
	s1 =	sshll.u32 s1, $0x11  }
0xbd: {  	s0 =	sor.u32 s1, s0  }
0xbe: {  	s0 =	sadd.s32 $0x8F2B, s0  }
0xbf: {  	[sflag:s0] =	ssyncadd.remote.s32 $0x1  }
0xc0: {  	_ =	sfence.sel $0xFFFF  }
0xc1: {  	[dreg:$0x0] =	wrdreg $0xFFFFFFFF;
	(pc) =	sbr.abs _section_cstart, $3  }
0xc2: {  	[dreg:$0x1] =	wrdreg $0xFFFFFFFF  }
0xc3: {  	_ =	task.clear_ibuf [dreg:s8], $0x2FFFF;
	_ =	strace $0x9FFFFFFF  }
0xc4: {  	(tm) =	ssettm $0x7FFFFFFF  }
0xc5: {  	_ =	shalt  }
tec
execute0_lowered:
.L_overlay_start_1:
0x0: {  	(tag) =	ssettag $0x1  }
0x1: {  	s1 =	rddreg [dreg:$0x0]  }
0x2: {  	s0 =	rddreg [dreg:$0x1]  }
0x3: {  	s2 =	rddreg [dreg:$0x2];
	s4 =	simm.s32 $0x0;
	s3 =	srdreg.scid  }
0x4: {  	s8 =	stileid.u32;
	s16 =	simm.s32 $0x3;
	s18 =	simm.s32 $0x1  }
0x5: {  	s19 =	simm.s32 $0x1920;
	s3 =	sand.u32 $0x1, s3;
	s6 =	sshll.u32 s8, $0x1  }
0x6: {  	s20 =	simm.s32 $0x7D20;
	s21 =	simm.s32 $0xE120;
	s6 =	sor.u32 s3, s6  }
0x7: {  	s22 =	simm.s32 $0x14520;
	s7 =	ssub.s32 $0x2, s3;
	s3 =	smul.u32 $0x190, s6  }
0x8: {  	[smem:$0x7FF] =	sst s4;
	s9 =	smul.u32 $0xC80, s6;
	s10 =	sor.u32 $0x3C0, s6  }
0x9: {  	s5 =	sadd.s32 $0x400, s0;
	p0 =	slt.u32 s8, $0x4;
	s11 =	smul.u32 $0xC80, s10  }
0xa: {  	s23 =	sshrl.u32 s7, $0x1;
	s14 =	sor.u32 $0x3E0, s6;
	s13 =	smul.u32 $0x6400, s10  }
0xb: {  	_ =	strace $0x80000047;
	s0 =	ssub.s32 s7, s23;
	s25 =	smul.u32 $0x6400, s14  }
0xc: {  	s7 =	simm.s32 $0x20;
	s28 =	smul.u32 $0xC80, s14;
	s23 =	simm.s32 $0x2  }
0xd: {  	s7 =	simm.s32 @!p0 $0x1F;
	s12 =	sshrl.u32 s9, $0x3;
	s9 =	sadd.s32 s1, s3  }
.Ltmp0:
0xe: {  	s15 =	smax.u32 s0, $0x1;
	p0 =	sgt.u32 s8, $0x3;
	(pc) =	sbr.rel .LBB2_1-.Ltmp0, $4  }
0xf: {  	s24 =	sadd.s32 s1, s12;
	s26 =	sshrl.u32 s13, $0x3;
	s11 =	sadd.s32 s2, s11  }
0x10: {  	s29 =	sshrl.u32 s25, $0x3;
	s30 =	sadd.s32 s2, s28;
	s10 =	sadd.s32 $0x3200, s24  }
0x11: {  	s3 =	sadd.s32 s2, s26;
	[dreg:$0x4] =	wrdreg s30;
	s31 =	sadd.s32 s2, s29  }
0x12: {  	s24 =	simm.s32 $0x0;
	s12 =	sadd.s32 $0x30D400, s3;
	s14 =	sadd.s32 $0x30D400, s31  }
.LBB2_13:
0x13: {  	_ =	swait.ge [sflag:s23], $0x6400  }
0x14: {  	[sflag:s23] =	ssyncset.done $0x0  }
0x15: {  	[sflag:s23] =	ssyncadd.s32 $0xFFFF9C00  }
0x16: {  	_ =	swait.ge [sflag:s23], $0x6400  }
0x17: {  	[sflag:s23] =	ssyncset.done $0x0  }
0x18: {  	s24 =	sadd.s32 $0x1, s24;
	[sflag:s23] =	ssyncadd.s32 $0xFFFF9C00  }
0x19: {  	p1 =	sne.s32 s24, s15;
	_ =	swait.ge [sflag:s23], $0x6400  }
.Ltmp1:
0x1a: {  	[sflag:s23] =	ssyncset.done $0x0;
	(pc) =	sbr.rel @!p1 .LBB2_14-.Ltmp1, $4  }
0x1b: {  	[sflag:s23] =	ssyncadd.s32 $0xFFFF9C00  }
0x1c: {  	_ =	swait.ge [sflag:s23], $0x6400  }
0x1d: {  	[sflag:s23] =	ssyncset.done $0x0  }
0x1e: {  	[sflag:s23] =	ssyncadd.s32 $0xFFFF9C00  }
.LBB2_1:
0x1f: {  	[tilespmem:s4], [sflag:$0x3] =	stream.linear.gather [hbm4b:s5+s4], $0x20, $0x38;
	[tilespmem:$0x1A920] =	vst v63  }
0x20: {  	_ =	swait.ge [sflag:s16], $0x20  }
0x21: {  	[sflag:s16] =	ssyncset.done $0x0  }
0x22: {  	[sflag:s16] =	ssyncadd.s32 $0xFFFFFFE0  }
0x23: {  	v15 =	vld [tilespmem:$0x0];
	_ =	sdelay $0x4  }
0x24: {  	v0 =	vbroadcast v15, $0x0;
	v1 =	vbroadcast v15, $0x1  }
0x25: {  	v2 =	vbroadcast v15, $0x2;
	v3 =	vbroadcast v15, $0x3  }
0x26: {  	v4 =	vbroadcast v15, $0x4;
	v5 =	vbroadcast v15, $0x5  }
0x27: {  	v31 =	vld [tilespmem:$0x10];
	v6 =	vbroadcast v15, $0x6;
	v7 =	vbroadcast v15, $0x7  }
0x28: {  	v8 =	vbroadcast v15, $0x8;
	v9 =	vbroadcast v15, $0x9  }
0x29: {  	v10 =	vbroadcast v15, $0xA;
	v11 =	vbroadcast v15, $0xB  }
0x2a: {  	v12 =	vbroadcast v15, $0xC;
	v13 =	vbroadcast v15, $0xD  }
0x2b: {  	v14 =	vbroadcast v15, $0xE;
	v15 =	vbroadcast v15, $0xF  }
0x2c: {  	v16 =	vbroadcast v31, $0x0;
	v17 =	vbroadcast v31, $0x1  }
0x2d: {  	v18 =	vbroadcast v31, $0x2;
	v19 =	vbroadcast v31, $0x3  }
0x2e: {  	v20 =	vbroadcast v31, $0x4;
	v21 =	vbroadcast v31, $0x5  }
0x2f: {  	v22 =	vbroadcast v31, $0x6;
	v23 =	vbroadcast v31, $0x7  }
0x30: {  	s0 =	simm.s32 $0x20;
	v24 =	vbroadcast v31, $0x8;
	v25 =	vbroadcast v31, $0x9  }
0x31: {  	[tilespmem:s0], [sflag:$0x1] =	stream.linear.gather [hbm4b:s9+s4], $0xC80, $0x38;
	v26 =	vbroadcast v31, $0xA;
	v27 =	vbroadcast v31, $0xB;
	[tilespmem:$0x1A920] =	vst v63  }
0x32: {  	s31 =	simm.s32 $0xCA0;
	s25 =	simm.s32 $0x0;
	v28 =	vbroadcast v31, $0xC;
	v29 =	vbroadcast v31, $0xD  }
0x33: {  	[tilespmem:s31], [sflag:$0x1] =	stream.linear.gather [hbm4b:s10+s4], $0xC80, $0x38;
	v30 =	vbroadcast v31, $0xE;
	v31 =	vbroadcast v31, $0xF;
	[tilespmem:$0x1A920] =	vst v63  }
.LBB2_2:
0x34: {  	_ =	swait.ge [sflag:s18], $0xC80  }
0x35: {  	p1 =	seq.s32 s25, $0x0;
	[sflag:s18] =	ssyncset.done $0x0  }
0x36: {  	s0 =	simm.s32 @!p1 $0x2;
	[sflag:s18] =	ssyncadd.s32 $0xFFFFF380  }
0x37: {  	_ =	swait.ge @!p1 [sflag:s0], $0x6400  }
0x38: {  	[sflag:s0] =	ssyncset.done @!p1 $0x0  }
0x39: {  	[sflag:s0] =	ssyncadd.s32 @!p1 $0xFFFF9C00  }
0x3a: {  	_ =	swait.ge @!p1 [sflag:s0], $0x6400  }
0x3b: {  	[sflag:s0] =	ssyncset.done @!p1 $0x0  }
0x3c: {  	s17 =	simm.s32 $0x30;
	[sflag:s0] =	ssyncadd.s32 @!p1 $0xFFFF9C00  }
0x3d: {  	v32 =	vld [tilespmem:s17+$0x0]  }
0x3e: {  	v33 =	vld [tilespmem:s17+$0xFFFFFFF0];
	_ =	sdelay $0x1  }
0x3f: {  	s28 =	simm.s32 $0x0  }
0x40: {  	s30 =	simm.s32 $0x10;
	s26 =	sand.u32 $0x7C00, s28  }
0x41: {  	s3 =	simm.s32 $0x0;
	s0 =	sadd.s32 $0x1920, s26;
	s26 =	sand.u32 $0x70, s30;
	vm0 =	veq.s32 v32, $0x0  }
0x42: {  	s3 =	sand.u32 $0x60, s3;
	s29 =	sadd.s32 s26, s0;
	vm1 =	veq.s32 v33, $0x0;
	v32 =	vsel vm0, v15, v31  }
0x43: {  	s0 =	sadd.s32 s3, s0;
	v33 =	vsel vm1, v0, v16;
	[tilespmem:s29+$0x6780] =	vst v32  }
0x44: {  	v42 =	vsel vm1, v1, v17;
	[tilespmem:s0+$0x0] =	vst v33  }
0x45: {  	v43 =	vsel vm1, v2, v18;
	[tilespmem:s0+$0x80] =	vst v42  }
0x46: {  	v44 =	vsel vm1, v3, v19;
	[tilespmem:s0+$0x100] =	vst v43  }
0x47: {  	v45 =	vsel vm1, v4, v20;
	[tilespmem:s0+$0x180] =	vst v44  }
0x48: {  	v46 =	vsel vm1, v5, v21;
	[tilespmem:s0+$0x200] =	vst v45  }
0x49: {  	v47 =	vsel vm1, v6, v22;
	[tilespmem:s0+$0x280] =	vst v46  }
0x4a: {  	v48 =	vsel vm1, v7, v23;
	[tilespmem:s0+$0x300] =	vst v47  }
0x4b: {  	v49 =	vsel vm1, v8, v24;
	[tilespmem:s0+$0x380] =	vst v48  }
0x4c: {  	v50 =	vsel vm1, v9, v25;
	[tilespmem:s0+$0x6400] =	vst v49  }
0x4d: {  	v51 =	vsel vm1, v10, v26;
	[tilespmem:s0+$0x6480] =	vst v50  }
0x4e: {  	v52 =	vsel vm1, v11, v27;
	[tilespmem:s0+$0x6500] =	vst v51  }
0x4f: {  	v53 =	vsel vm1, v12, v28;
	[tilespmem:s0+$0x6580] =	vst v52  }
0x50: {  	v54 =	vsel vm1, v13, v29;
	[tilespmem:s0+$0x6600] =	vst v53  }
0x51: {  	v55 =	vsel vm1, v14, v30;
	[tilespmem:s0+$0x6680] =	vst v54  }
0x52: {  	v56 =	vsel vm1, v15, v31;
	[tilespmem:s0+$0x6700] =	vst v55  }
0x53: {  	v57 =	vsel vm0, v0, v16;
	[tilespmem:s0+$0x6780] =	vst v56  }
0x54: {  	v58 =	vsel vm0, v1, v17;
	[tilespmem:s29+$0x0] =	vst v57  }
0x55: {  	v59 =	vsel vm0, v2, v18;
	[tilespmem:s29+$0x80] =	vst v58  }
0x56: {  	v60 =	vsel vm0, v3, v19;
	[tilespmem:s29+$0x100] =	vst v59  }
0x57: {  	v61 =	vsel vm0, v4, v20;
	[tilespmem:s29+$0x180] =	vst v60  }
0x58: {  	v62 =	vsel vm0, v5, v21;
	[tilespmem:s29+$0x200] =	vst v61  }
0x59: {  	v63 =	vsel vm0, v6, v22;
	v39 =	vsel vm0, v7, v23;
	v37 =	vsel vm0, v8, v24;
	[tilespmem:s29+$0x280] =	vst v62  }
0x5a: {  	v38 =	vsel vm0, v9, v25;
	v36 =	vsel vm0, v10, v26;
	v34 =	vsel vm0, v11, v27;
	[tilespmem:s29+$0x300] =	vst v63  }
0x5b: {  	s31 =	simm.s32 $0x0;
	s26 =	sshll.u32 s25, $0x1;
	v35 =	vsel vm0, v12, v28;
	v33 =	vsel vm0, v13, v29;
	v32 =	vsel vm0, v14, v30;
	[tilespmem:s29+$0x380] =	vst v39;
	s0 =	simm.s32 $0x50  }
.LBB2_3:
0x5c: {  	v39 =	vld [tilespmem:s0+$0x0];
	s31 =	sadd.s32 $0x2, s31;
	[tilespmem:s29+$0x6400] =	vst v37  }
0x5d: {  	v37 =	vld [tilespmem:s0+$0xFFFFFFF0];
	p2 =	slt.u32 s31, $0xC6;
	[tilespmem:s29+$0x6480] =	vst v38  }
0x5e: {  	[tilespmem:s29+$0x6500] =	vst v36  }
0x5f: {  	s28 =	sadd.s32 $0x100, s28;
	[tilespmem:s29+$0x6580] =	vst v34  }
0x60: {  	s30 =	sadd.s32 $0x20, s30;
	s3 =	sand.u32 $0x7C00, s28;
	[tilespmem:s29+$0x6600] =	vst v35  }
0x61: {  	s8 =	sadd.s32 $0xFFFFFFF0, s30;
	s17 =	sand.u32 $0x70, s30;
	s3 =	sadd.s32 $0x1920, s3;
	vm0 =	veq.s32 v39, $0x0;
	[tilespmem:s29+$0x6680] =	vst v33  }
0x62: {  	s8 =	sand.u32 $0x60, s8;
	vm1 =	veq.s32 v37, $0x0;
	v39 =	vsel vm0, v0, v16;
	v33 =	vsel vm0, v15, v31;
	[tilespmem:s29+$0x6700] =	vst v32;
	s29 =	sadd.s32 s17, s3  }
0x63: {  	s3 =	sadd.s32 s8, s3;
	v32 =	vsel vm1, v0, v16;
	v34 =	vsel vm1, v1, v17;
	v35 =	vsel vm1, v2, v18;
	[tilespmem:s29+$0x6780] =	vst v33  }
0x64: {  	v33 =	vsel vm1, v4, v20;
	v36 =	vsel vm1, v5, v21;
	[tilespmem:s3+$0x0] =	vst v32;
	v32 =	vsel vm1, v3, v19  }
0x65: {  	v38 =	vsel vm1, v7, v23;
	v40 =	vsel vm1, v8, v24;
	[tilespmem:s3+$0x80] =	vst v34;
	v34 =	vsel vm1, v6, v22  }
0x66: {  	v41 =	vsel vm1, v9, v25;
	v42 =	vsel vm1, v10, v26;
	v43 =	vsel vm1, v11, v27;
	[tilespmem:s3+$0x100] =	vst v35  }
0x67: {  	v44 =	vsel vm1, v12, v28;
	v45 =	vsel vm1, v13, v29;
	v46 =	vsel vm1, v14, v30;
	[tilespmem:s3+$0x180] =	vst v32  }
0x68: {  	v48 =	vsel vm0, v1, v17;
	v49 =	vsel vm0, v2, v18;
	v47 =	vsel vm1, v15, v31;
	[tilespmem:s3+$0x200] =	vst v33  }
0x69: {  	v50 =	vsel vm0, v3, v19;
	v51 =	vsel vm0, v4, v20;
	v52 =	vsel vm0, v5, v21;
	[tilespmem:s3+$0x280] =	vst v36  }
0x6a: {  	v53 =	vsel vm0, v6, v22;
	v54 =	vsel vm0, v7, v23;
	v37 =	vsel vm0, v8, v24;
	[tilespmem:s3+$0x300] =	vst v34  }
0x6b: {  	v36 =	vsel vm0, v10, v26;
	v34 =	vsel vm0, v11, v27;
	[tilespmem:s3+$0x380] =	vst v38;
	v38 =	vsel vm0, v9, v25  }
0x6c: {  	v35 =	vsel vm0, v12, v28;
	v32 =	vsel vm0, v14, v30;
	v33 =	vsel vm0, v13, v29;
	[tilespmem:s3+$0x6400] =	vst v40  }
0x6d: {  	[tilespmem:s3+$0x6480] =	vst v41  }
0x6e: {  	[tilespmem:s3+$0x6500] =	vst v42  }
0x6f: {  	[tilespmem:s3+$0x6580] =	vst v43  }
0x70: {  	[tilespmem:s3+$0x6600] =	vst v44  }
0x71: {  	[tilespmem:s3+$0x6680] =	vst v45  }
0x72: {  	[tilespmem:s3+$0x6700] =	vst v46  }
0x73: {  	[tilespmem:s3+$0x6780] =	vst v47  }
0x74: {  	[tilespmem:s29+$0x0] =	vst v39  }
0x75: {  	[tilespmem:s29+$0x80] =	vst v48  }
0x76: {  	[tilespmem:s29+$0x100] =	vst v49  }
.Ltmp2:
0x77: {  	[tilespmem:s29+$0x180] =	vst v50;
	(pc) =	sbr.rel @p2 .LBB2_3-.Ltmp2, $4  }
0x78: {  	[tilespmem:s29+$0x200] =	vst v51  }
0x79: {  	[tilespmem:s29+$0x280] =	vst v52  }
0x7a: {  	[tilespmem:s29+$0x300] =	vst v53  }
0x7b: {  	s0 =	sadd.s32 $0x20, s0;
	[tilespmem:s29+$0x380] =	vst v54  }
0x7c: {  	[tilespmem:s29+$0x6400] =	vst v37  }
0x7d: {  	[tilespmem:s29+$0x6480] =	vst v38  }
0x7e: {  	[tilespmem:s29+$0x6500] =	vst v36;
	s0 =	sshll.u32 s25, $0x6  }
0x7f: {  	[tilespmem:s29+$0x6580] =	vst v34;
	s28 =	sor.u32 s6, s0  }
0x80: {  	[tilespmem:s29+$0x6600] =	vst v35;
	s0 =	smul.u32 $0xC80, s28  }
0x81: {  	[tilespmem:s29+$0x6680] =	vst v33;
	s3 =	sadd.s32 $0x2, s26  }
0x82: {  	[tilespmem:s29+$0x6700] =	vst v32;
	p2 =	sge.u32 s3, s7;
	s17 =	smul.u32 $0x6400, s28;
	s0 =	sadd.s32 s2, s0  }
0x83: {  	[hbm4b:s0+s4] =	stream.linear.scatter [tilespmem:s19], [sflag:$0x2], $0x6400, $0x38;
	[tilespmem:$0x1A920] =	vst v63  }
0x84: {  	s3 =	sshll.u32 @!p2 s3, $0x5;
	s0 =	sshrl.u32 s17, $0x3  }
0x85: {  	s3 =	sor.u32 @!p2 s6, s3;
	s0 =	sadd.s32 s2, s0  }
0x86: {  	s3 =	smul.u32 @!p2 $0x190, s3;
	s0 =	sadd.s32 $0x30D400, s0  }
0x87: {  	[hbm4b:s0+s4] =	stream.linear.scatter [tilespmem:s20], [sflag:$0x2], $0x6400, $0x38;
	[tilespmem:$0x1A920] =	vst v63  }
0x88: {  	s8 =	simm.s32 @!p2 $0x20;
	s0 =	sadd.s32 @!p2 s1, s3;
	s3 =	simm.s32 @!p2 $0x0  }
0x89: {  	[tilespmem:s8], [sflag:$0x1] =	stream.linear.gather @!p2 [hbm4b:s0+s3], $0xC80, $0x38;
	[tilespmem:$0x1A920] =	vst v63  }
0x8a: {  	_ =	swait.ge [sflag:s18], $0xC80  }
0x8b: {  	[sflag:s18] =	ssyncset.done $0x0  }
0x8c: {  	s0 =	simm.s32 @!p1 $0x2;
	[sflag:s18] =	ssyncadd.s32 $0xFFFFF380  }
0x8d: {  	_ =	swait.ge @!p1 [sflag:s0], $0x6400  }
0x8e: {  	[sflag:s0] =	ssyncset.done @!p1 $0x0  }
0x8f: {  	[sflag:s0] =	ssyncadd.s32 @!p1 $0xFFFF9C00  }
0x90: {  	_ =	swait.ge @!p1 [sflag:s0], $0x6400  }
0x91: {  	[sflag:s0] =	ssyncset.done @!p1 $0x0  }
0x92: {  	s3 =	simm.s32 $0xCB0;
	[sflag:s0] =	ssyncadd.s32 @!p1 $0xFFFF9C00  }
0x93: {  	v40 =	vld [tilespmem:s3+$0x0]  }
0x94: {  	v41 =	vld [tilespmem:s3+$0xFFFFFFF0];
	_ =	sdelay $0x1  }
0x95: {  	s29 =	simm.s32 $0x0  }
0x96: {  	s31 =	simm.s32 $0x10;
	s8 =	sand.u32 $0x7C00, s29  }
0x97: {  	s13 =	simm.s32 $0x0;
	s17 =	sand.u32 $0x70, s31;
	s0 =	sadd.s32 $0xE120, s8;
	vm0 =	veq.s32 v40, $0x0  }
0x98: {  	s3 =	sand.u32 $0x60, s13;
	s30 =	sadd.s32 s17, s0;
	vm1 =	veq.s32 v41, $0x0;
	v32 =	vsel vm0, v15, v31  }
0x99: {  	s0 =	sadd.s32 s3, s0;
	v33 =	vsel vm1, v0, v16;
	[tilespmem:s30+$0x6780] =	vst v32  }
0x9a: {  	v42 =	vsel vm1, v1, v17;
	[tilespmem:s0+$0x0] =	vst v33  }
0x9b: {  	v43 =	vsel vm1, v2, v18;
	[tilespmem:s0+$0x80] =	vst v42  }
0x9c: {  	v44 =	vsel vm1, v3, v19;
	[tilespmem:s0+$0x100] =	vst v43  }
0x9d: {  	v45 =	vsel vm1, v4, v20;
	[tilespmem:s0+$0x180] =	vst v44  }
0x9e: {  	v46 =	vsel vm1, v5, v21;
	[tilespmem:s0+$0x200] =	vst v45  }
0x9f: {  	v47 =	vsel vm1, v6, v22;
	[tilespmem:s0+$0x280] =	vst v46  }
0xa0: {  	v48 =	vsel vm1, v7, v23;
	[tilespmem:s0+$0x300] =	vst v47  }
0xa1: {  	v49 =	vsel vm1, v8, v24;
	[tilespmem:s0+$0x380] =	vst v48  }
0xa2: {  	v50 =	vsel vm1, v9, v25;
	[tilespmem:s0+$0x6400] =	vst v49  }
0xa3: {  	v51 =	vsel vm1, v10, v26;
	[tilespmem:s0+$0x6480] =	vst v50  }
0xa4: {  	v52 =	vsel vm1, v11, v27;
	[tilespmem:s0+$0x6500] =	vst v51  }
0xa5: {  	v53 =	vsel vm1, v12, v28;
	[tilespmem:s0+$0x6580] =	vst v52  }
0xa6: {  	v54 =	vsel vm1, v13, v29;
	[tilespmem:s0+$0x6600] =	vst v53  }
0xa7: {  	v55 =	vsel vm1, v14, v30;
	[tilespmem:s0+$0x6680] =	vst v54  }
0xa8: {  	v56 =	vsel vm1, v15, v31;
	[tilespmem:s0+$0x6700] =	vst v55  }
0xa9: {  	v57 =	vsel vm0, v0, v16;
	[tilespmem:s0+$0x6780] =	vst v56  }
0xaa: {  	v58 =	vsel vm0, v1, v17;
	[tilespmem:s30+$0x0] =	vst v57  }
0xab: {  	v59 =	vsel vm0, v2, v18;
	[tilespmem:s30+$0x80] =	vst v58  }
0xac: {  	v60 =	vsel vm0, v3, v19;
	[tilespmem:s30+$0x100] =	vst v59  }
0xad: {  	v61 =	vsel vm0, v4, v20;
	[tilespmem:s30+$0x180] =	vst v60  }
0xae: {  	v62 =	vsel vm0, v5, v21;
	[tilespmem:s30+$0x200] =	vst v61  }
0xaf: {  	v63 =	vsel vm0, v6, v22;
	v39 =	vsel vm0, v7, v23;
	v37 =	vsel vm0, v8, v24;
	[tilespmem:s30+$0x280] =	vst v62  }
0xb0: {  	v38 =	vsel vm0, v9, v25;
	v36 =	vsel vm0, v10, v26;
	v34 =	vsel vm0, v11, v27;
	[tilespmem:s30+$0x300] =	vst v63  }
0xb1: {  	s3 =	simm.s32 $0xCD0;
	v35 =	vsel vm0, v12, v28;
	s0 =	simm.s32 $0x0;
	v33 =	vsel vm0, v13, v29;
	v32 =	vsel vm0, v14, v30;
	[tilespmem:s30+$0x380] =	vst v39  }
.LBB2_5:
0xb2: {  	v39 =	vld [tilespmem:s3+$0x0];
	s0 =	sadd.s32 $0x2, s0;
	[tilespmem:s30+$0x6400] =	vst v37  }
0xb3: {  	v37 =	vld [tilespmem:s3+$0xFFFFFFF0];
	p1 =	slt.u32 s0, $0xC6;
	[tilespmem:s30+$0x6480] =	vst v38  }
0xb4: {  	[tilespmem:s30+$0x6500] =	vst v36  }
0xb5: {  	s29 =	sadd.s32 $0x100, s29;
	[tilespmem:s30+$0x6580] =	vst v34  }
0xb6: {  	s31 =	sadd.s32 $0x20, s31;
	s8 =	sand.u32 $0x7C00, s29;
	[tilespmem:s30+$0x6600] =	vst v35  }
0xb7: {  	s17 =	sadd.s32 $0xFFFFFFF0, s31;
	s13 =	sand.u32 $0x70, s31;
	s8 =	sadd.s32 $0xE120, s8;
	vm0 =	veq.s32 v39, $0x0;
	[tilespmem:s30+$0x6680] =	vst v33  }
0xb8: {  	s17 =	sand.u32 $0x60, s17;
	vm1 =	veq.s32 v37, $0x0;
	v39 =	vsel vm0, v0, v16;
	v33 =	vsel vm0, v15, v31;
	[tilespmem:s30+$0x6700] =	vst v32;
	s30 =	sadd.s32 s13, s8  }
0xb9: {  	s8 =	sadd.s32 s17, s8;
	v32 =	vsel vm1, v0, v16;
	v34 =	vsel vm1, v1, v17;
	v35 =	vsel vm1, v2, v18;
	[tilespmem:s30+$0x6780] =	vst v33  }
0xba: {  	v33 =	vsel vm1, v4, v20;
	v36 =	vsel vm1, v5, v21;
	[tilespmem:s8+$0x0] =	vst v32;
	v32 =	vsel vm1, v3, v19  }
0xbb: {  	v38 =	vsel vm1, v7, v23;
	v40 =	vsel vm1, v8, v24;
	[tilespmem:s8+$0x80] =	vst v34;
	v34 =	vsel vm1, v6, v22  }
0xbc: {  	v41 =	vsel vm1, v9, v25;
	v42 =	vsel vm1, v10, v26;
	v43 =	vsel vm1, v11, v27;
	[tilespmem:s8+$0x100] =	vst v35  }
0xbd: {  	v44 =	vsel vm1, v12, v28;
	v45 =	vsel vm1, v13, v29;
	v46 =	vsel vm1, v14, v30;
	[tilespmem:s8+$0x180] =	vst v32  }
0xbe: {  	v48 =	vsel vm0, v1, v17;
	v49 =	vsel vm0, v2, v18;
	v47 =	vsel vm1, v15, v31;
	[tilespmem:s8+$0x200] =	vst v33  }
0xbf: {  	v50 =	vsel vm0, v3, v19;
	v51 =	vsel vm0, v4, v20;
	v52 =	vsel vm0, v5, v21;
	[tilespmem:s8+$0x280] =	vst v36  }
0xc0: {  	v53 =	vsel vm0, v6, v22;
	v54 =	vsel vm0, v7, v23;
	v37 =	vsel vm0, v8, v24;
	[tilespmem:s8+$0x300] =	vst v34  }
0xc1: {  	v36 =	vsel vm0, v10, v26;
	v34 =	vsel vm0, v11, v27;
	[tilespmem:s8+$0x380] =	vst v38;
	v38 =	vsel vm0, v9, v25  }
0xc2: {  	v35 =	vsel vm0, v12, v28;
	v32 =	vsel vm0, v14, v30;
	v33 =	vsel vm0, v13, v29;
	[tilespmem:s8+$0x6400] =	vst v40  }
0xc3: {  	[tilespmem:s8+$0x6480] =	vst v41  }
0xc4: {  	[tilespmem:s8+$0x6500] =	vst v42  }
0xc5: {  	[tilespmem:s8+$0x6580] =	vst v43  }
0xc6: {  	[tilespmem:s8+$0x6600] =	vst v44  }
0xc7: {  	[tilespmem:s8+$0x6680] =	vst v45  }
0xc8: {  	[tilespmem:s8+$0x6700] =	vst v46  }
0xc9: {  	[tilespmem:s8+$0x6780] =	vst v47  }
0xca: {  	[tilespmem:s30+$0x0] =	vst v39  }
0xcb: {  	[tilespmem:s30+$0x80] =	vst v48  }
0xcc: {  	[tilespmem:s30+$0x100] =	vst v49  }
.Ltmp3:
0xcd: {  	[tilespmem:s30+$0x180] =	vst v50;
	(pc) =	sbr.rel @p1 .LBB2_5-.Ltmp3, $4  }
0xce: {  	[tilespmem:s30+$0x200] =	vst v51  }
0xcf: {  	[tilespmem:s30+$0x280] =	vst v52  }
0xd0: {  	[tilespmem:s30+$0x300] =	vst v53  }
0xd1: {  	s3 =	sadd.s32 $0x20, s3;
	[tilespmem:s30+$0x380] =	vst v54  }
0xd2: {  	[tilespmem:s30+$0x6400] =	vst v37  }
0xd3: {  	[tilespmem:s30+$0x6480] =	vst v38  }
0xd4: {  	[tilespmem:s30+$0x6500] =	vst v36  }
0xd5: {  	[tilespmem:s30+$0x6580] =	vst v34;
	s0 =	sor.u32 $0x20, s28  }
0xd6: {  	[tilespmem:s30+$0x6600] =	vst v35;
	s3 =	smul.u32 $0xC80, s0  }
0xd7: {  	[tilespmem:s30+$0x6680] =	vst v33  }
0xd8: {  	[tilespmem:s30+$0x6700] =	vst v32;
	s3 =	sadd.s32 s2, s3  }
0xd9: {  	[hbm4b:s3+s4] =	stream.linear.scatter [tilespmem:s21], [sflag:$0x2], $0x6400, $0x38;
	[tilespmem:$0x1A920] =	vst v63  }
0xda: {  	s0 =	smul.u32 $0x6400, s0;
	s3 =	sadd.s32 $0x3, s26  }
0xdb: {  	p1 =	sge.u32 s3, s7  }
0xdc: {  	s0 =	sshrl.u32 s0, $0x3;
	s3 =	sshll.u32 @!p1 s3, $0x5  }
0xdd: {  	s0 =	sadd.s32 s2, s0;
	s3 =	sor.u32 @!p1 s6, s3  }
0xde: {  	s25 =	sadd.s32 $0x1, s25;
	s0 =	sadd.s32 $0x30D400, s0;
	s3 =	smul.u32 @!p1 $0x190, s3  }
0xdf: {  	[hbm4b:s0+s4] =	stream.linear.scatter [tilespmem:s22], [sflag:$0x2], $0x6400, $0x38;
	[tilespmem:$0x1A920] =	vst v63  }
0xe0: {  	s8 =	simm.s32 @!p1 $0xCA0;
	s0 =	sadd.s32 @!p1 s1, s3;
	s3 =	simm.s32 @!p1 $0x0  }
0xe1: {  	[tilespmem:s8], [sflag:$0x1] =	stream.linear.gather @!p1 [hbm4b:s0+s3], $0xC80, $0x38;
	[tilespmem:$0x1A920] =	vst v63  }
0xe2: {  	p1 =	sne.s32 s25, $0xF  }
.Ltmp4:
0xe3: {  	_ = 	snop;
	(pc) =	sbr.rel @p1 .LBB2_2-.Ltmp4, $1  }
0xe4: {  	_ =	sdelay $0x3  }
0xe5: {  	_ =	swait.ge [sflag:s18], $0xC80  }
0xe6: {  	[sflag:s18] =	ssyncset.done $0x0  }
0xe7: {  	[sflag:s18] =	ssyncadd.s32 $0xFFFFF380  }
0xe8: {  	_ =	swait.ge [sflag:s23], $0x6400  }
0xe9: {  	[sflag:s23] =	ssyncset.done $0x0  }
0xea: {  	[sflag:s23] =	ssyncadd.s32 $0xFFFF9C00  }
0xeb: {  	_ =	swait.ge [sflag:s23], $0x6400  }
0xec: {  	[sflag:s23] =	ssyncset.done $0x0  }
0xed: {  	s0 =	simm.s32 $0x30;
	[sflag:s23] =	ssyncadd.s32 $0xFFFF9C00  }
0xee: {  	v32 =	vld [tilespmem:s0+$0x0]  }
0xef: {  	v33 =	vld [tilespmem:s0+$0xFFFFFFF0];
	_ =	sdelay $0x1  }
0xf0: {  	s25 =	simm.s32 $0x0  }
0xf1: {  	s26 =	simm.s32 $0x10;
	s31 =	sand.u32 $0x7C00, s25  }
0xf2: {  	s3 =	simm.s32 $0x0;
	s8 =	sand.u32 $0x70, s26;
	s0 =	sadd.s32 $0x1920, s31;
	vm0 =	veq.s32 v32, $0x0  }
0xf3: {  	s3 =	sand.u32 $0x60, s3;
	s28 =	sadd.s32 s8, s0;
	vm1 =	veq.s32 v33, $0x0;
	v32 =	vsel vm0, v15, v31  }
0xf4: {  	s0 =	sadd.s32 s3, s0;
	v33 =	vsel vm1, v0, v16;
	[tilespmem:s28+$0x6780] =	vst v32  }
0xf5: {  	v42 =	vsel vm1, v1, v17;
	[tilespmem:s0+$0x0] =	vst v33  }
0xf6: {  	v43 =	vsel vm1, v2, v18;
	[tilespmem:s0+$0x80] =	vst v42  }
0xf7: {  	v44 =	vsel vm1, v3, v19;
	[tilespmem:s0+$0x100] =	vst v43  }
0xf8: {  	v45 =	vsel vm1, v4, v20;
	[tilespmem:s0+$0x180] =	vst v44  }
0xf9: {  	v46 =	vsel vm1, v5, v21;
	[tilespmem:s0+$0x200] =	vst v45  }
0xfa: {  	v47 =	vsel vm1, v6, v22;
	[tilespmem:s0+$0x280] =	vst v46  }
0xfb: {  	v48 =	vsel vm1, v7, v23;
	[tilespmem:s0+$0x300] =	vst v47  }
0xfc: {  	v49 =	vsel vm1, v8, v24;
	[tilespmem:s0+$0x380] =	vst v48  }
0xfd: {  	v50 =	vsel vm1, v9, v25;
	[tilespmem:s0+$0x6400] =	vst v49  }
0xfe: {  	v51 =	vsel vm1, v10, v26;
	[tilespmem:s0+$0x6480] =	vst v50  }
0xff: {  	v52 =	vsel vm1, v11, v27;
	[tilespmem:s0+$0x6500] =	vst v51  }
0x100: {  	v53 =	vsel vm1, v12, v28;
	[tilespmem:s0+$0x6580] =	vst v52  }
0x101: {  	v54 =	vsel vm1, v13, v29;
	[tilespmem:s0+$0x6600] =	vst v53  }
0x102: {  	v55 =	vsel vm1, v14, v30;
	[tilespmem:s0+$0x6680] =	vst v54  }
0x103: {  	v56 =	vsel vm1, v15, v31;
	[tilespmem:s0+$0x6700] =	vst v55  }
0x104: {  	v57 =	vsel vm0, v0, v16;
	[tilespmem:s0+$0x6780] =	vst v56  }
0x105: {  	v58 =	vsel vm0, v1, v17;
	[tilespmem:s28+$0x0] =	vst v57  }
0x106: {  	v59 =	vsel vm0, v2, v18;
	[tilespmem:s28+$0x80] =	vst v58  }
0x107: {  	v60 =	vsel vm0, v3, v19;
	[tilespmem:s28+$0x100] =	vst v59  }
0x108: {  	v61 =	vsel vm0, v4, v20;
	[tilespmem:s28+$0x180] =	vst v60  }
0x109: {  	v62 =	vsel vm0, v5, v21;
	[tilespmem:s28+$0x200] =	vst v61  }
0x10a: {  	v63 =	vsel vm0, v6, v22;
	v39 =	vsel vm0, v7, v23;
	v37 =	vsel vm0, v8, v24;
	[tilespmem:s28+$0x280] =	vst v62  }
0x10b: {  	v38 =	vsel vm0, v9, v25;
	v35 =	vsel vm0, v10, v26;
	v34 =	vsel vm0, v11, v27;
	[tilespmem:s28+$0x300] =	vst v63  }
0x10c: {  	s3 =	simm.s32 $0x50;
	v36 =	vsel vm0, v12, v28;
	s0 =	simm.s32 $0x0;
	v33 =	vsel vm0, v13, v29;
	v32 =	vsel vm0, v14, v30;
	[tilespmem:s28+$0x380] =	vst v39  }
.LBB2_8:
0x10d: {  	v39 =	vld [tilespmem:s3+$0x0];
	s0 =	sadd.s32 $0x2, s0;
	[tilespmem:s28+$0x6400] =	vst v37  }
0x10e: {  	v37 =	vld [tilespmem:s3+$0xFFFFFFF0];
	p1 =	slt.u32 s0, $0xC6;
	[tilespmem:s28+$0x6480] =	vst v38  }
0x10f: {  	[tilespmem:s28+$0x6500] =	vst v35  }
0x110: {  	s25 =	sadd.s32 $0x100, s25;
	[tilespmem:s28+$0x6580] =	vst v34  }
0x111: {  	s26 =	sadd.s32 $0x20, s26;
	s8 =	sand.u32 $0x7C00, s25;
	[tilespmem:s28+$0x6600] =	vst v36  }
0x112: {  	s13 =	sadd.s32 $0xFFFFFFF0, s26;
	s17 =	sand.u32 $0x70, s26;
	s8 =	sadd.s32 $0x1920, s8;
	vm0 =	veq.s32 v39, $0x0;
	[tilespmem:s28+$0x6680] =	vst v33  }
0x113: {  	s13 =	sand.u32 $0x60, s13;
	vm1 =	veq.s32 v37, $0x0;
	v39 =	vsel vm0, v0, v16;
	v33 =	vsel vm0, v15, v31;
	[tilespmem:s28+$0x6700] =	vst v32;
	s28 =	sadd.s32 s17, s8  }
0x114: {  	s8 =	sadd.s32 s13, s8;
	v32 =	vsel vm1, v0, v16;
	v34 =	vsel vm1, v1, v17;
	v35 =	vsel vm1, v2, v18;
	[tilespmem:s28+$0x6780] =	vst v33  }
0x115: {  	v33 =	vsel vm1, v4, v20;
	v36 =	vsel vm1, v5, v21;
	[tilespmem:s8+$0x0] =	vst v32;
	v32 =	vsel vm1, v3, v19  }
0x116: {  	v38 =	vsel vm1, v7, v23;
	v40 =	vsel vm1, v8, v24;
	[tilespmem:s8+$0x80] =	vst v34;
	v34 =	vsel vm1, v6, v22  }
0x117: {  	v41 =	vsel vm1, v9, v25;
	v42 =	vsel vm1, v10, v26;
	v43 =	vsel vm1, v11, v27;
	[tilespmem:s8+$0x100] =	vst v35  }
0x118: {  	v44 =	vsel vm1, v12, v28;
	v45 =	vsel vm1, v13, v29;
	v46 =	vsel vm1, v14, v30;
	[tilespmem:s8+$0x180] =	vst v32  }
0x119: {  	v48 =	vsel vm0, v1, v17;
	v49 =	vsel vm0, v2, v18;
	v47 =	vsel vm1, v15, v31;
	[tilespmem:s8+$0x200] =	vst v33  }
0x11a: {  	v50 =	vsel vm0, v3, v19;
	v51 =	vsel vm0, v4, v20;
	v52 =	vsel vm0, v5, v21;
	[tilespmem:s8+$0x280] =	vst v36  }
0x11b: {  	v53 =	vsel vm0, v6, v22;
	v54 =	vsel vm0, v7, v23;
	v37 =	vsel vm0, v8, v24;
	[tilespmem:s8+$0x300] =	vst v34  }
0x11c: {  	v35 =	vsel vm0, v10, v26;
	v34 =	vsel vm0, v11, v27;
	[tilespmem:s8+$0x380] =	vst v38;
	v38 =	vsel vm0, v9, v25  }
0x11d: {  	v32 =	vsel vm0, v14, v30;
	v33 =	vsel vm0, v13, v29;
	v36 =	vsel vm0, v12, v28;
	[tilespmem:s8+$0x6400] =	vst v40  }
0x11e: {  	[tilespmem:s8+$0x6480] =	vst v41  }
0x11f: {  	[tilespmem:s8+$0x6500] =	vst v42  }
0x120: {  	[tilespmem:s8+$0x6580] =	vst v43  }
0x121: {  	[tilespmem:s8+$0x6600] =	vst v44  }
0x122: {  	[tilespmem:s8+$0x6680] =	vst v45  }
0x123: {  	[tilespmem:s8+$0x6700] =	vst v46  }
0x124: {  	[tilespmem:s8+$0x6780] =	vst v47  }
0x125: {  	[tilespmem:s28+$0x0] =	vst v39  }
0x126: {  	[tilespmem:s28+$0x80] =	vst v48  }
0x127: {  	[tilespmem:s28+$0x100] =	vst v49  }
.Ltmp5:
0x128: {  	[tilespmem:s28+$0x180] =	vst v50;
	(pc) =	sbr.rel @p1 .LBB2_8-.Ltmp5, $4  }
0x129: {  	[tilespmem:s28+$0x200] =	vst v51  }
0x12a: {  	[tilespmem:s28+$0x280] =	vst v52  }
0x12b: {  	[tilespmem:s28+$0x300] =	vst v53  }
0x12c: {  	s3 =	sadd.s32 $0x20, s3;
	[tilespmem:s28+$0x380] =	vst v54  }
0x12d: {  	[tilespmem:s28+$0x6400] =	vst v37  }
0x12e: {  	[tilespmem:s28+$0x6480] =	vst v38  }
0x12f: {  	[tilespmem:s28+$0x6500] =	vst v35  }
0x130: {  	[tilespmem:s28+$0x6580] =	vst v34  }
0x131: {  	[tilespmem:s28+$0x6600] =	vst v36  }
.Ltmp6:
0x132: {  	[tilespmem:s28+$0x6680] =	vst v33;
	(pc) =	sbr.rel @p0 .LBB2_13-.Ltmp6, $4  }
0x133: {  	[tilespmem:s28+$0x6700] =	vst v32  }
0x134: {  	[hbm4b:s11+s4] =	stream.linear.scatter [tilespmem:s19], [sflag:$0x2], $0x6400, $0x38;
	[tilespmem:$0x1A920] =	vst v63  }
0x135: {  	_ = 	snop  }
0x136: {  	[hbm4b:s12+s4] =	stream.linear.scatter [tilespmem:s20], [sflag:$0x2], $0x6400, $0x38;
	[tilespmem:$0x1A920] =	vst v63  }
0x137: {  	_ =	swait.ge [sflag:s18], $0xC80  }
0x138: {  	[sflag:s18] =	ssyncset.done $0x0  }
0x139: {  	[sflag:s18] =	ssyncadd.s32 $0xFFFFF380  }
0x13a: {  	_ =	swait.ge [sflag:s23], $0x6400  }
0x13b: {  	[sflag:s23] =	ssyncset.done $0x0  }
0x13c: {  	[sflag:s23] =	ssyncadd.s32 $0xFFFF9C00  }
0x13d: {  	_ =	swait.ge [sflag:s23], $0x6400  }
0x13e: {  	[sflag:s23] =	ssyncset.done $0x0  }
0x13f: {  	s0 =	simm.s32 $0xCB0;
	[sflag:s23] =	ssyncadd.s32 $0xFFFF9C00  }
0x140: {  	v32 =	vld [tilespmem:s0+$0x0]  }
0x141: {  	v33 =	vld [tilespmem:s0+$0xFFFFFFF0];
	_ =	sdelay $0x1  }
0x142: {  	s25 =	simm.s32 $0x0  }
0x143: {  	s26 =	simm.s32 $0x10;
	s31 =	sand.u32 $0x7C00, s25  }
0x144: {  	s3 =	simm.s32 $0x0;
	s8 =	sand.u32 $0x70, s26;
	s0 =	sadd.s32 $0xE120, s31;
	vm0 =	veq.s32 v32, $0x0  }
0x145: {  	s3 =	sand.u32 $0x60, s3;
	s28 =	sadd.s32 s8, s0;
	vm1 =	veq.s32 v33, $0x0;
	v32 =	vsel vm0, v15, v31  }
0x146: {  	s0 =	sadd.s32 s3, s0;
	v33 =	vsel vm1, v0, v16;
	[tilespmem:s28+$0x6780] =	vst v32  }
0x147: {  	v42 =	vsel vm1, v1, v17;
	[tilespmem:s0+$0x0] =	vst v33  }
0x148: {  	v43 =	vsel vm1, v2, v18;
	[tilespmem:s0+$0x80] =	vst v42  }
0x149: {  	v44 =	vsel vm1, v3, v19;
	[tilespmem:s0+$0x100] =	vst v43  }
0x14a: {  	v45 =	vsel vm1, v4, v20;
	[tilespmem:s0+$0x180] =	vst v44  }
0x14b: {  	v46 =	vsel vm1, v5, v21;
	[tilespmem:s0+$0x200] =	vst v45  }
0x14c: {  	v47 =	vsel vm1, v6, v22;
	[tilespmem:s0+$0x280] =	vst v46  }
0x14d: {  	v48 =	vsel vm1, v7, v23;
	[tilespmem:s0+$0x300] =	vst v47  }
0x14e: {  	v49 =	vsel vm1, v8, v24;
	[tilespmem:s0+$0x380] =	vst v48  }
0x14f: {  	v50 =	vsel vm1, v9, v25;
	[tilespmem:s0+$0x6400] =	vst v49  }
0x150: {  	v51 =	vsel vm1, v10, v26;
	[tilespmem:s0+$0x6480] =	vst v50  }
0x151: {  	v52 =	vsel vm1, v11, v27;
	[tilespmem:s0+$0x6500] =	vst v51  }
0x152: {  	v53 =	vsel vm1, v12, v28;
	[tilespmem:s0+$0x6580] =	vst v52  }
0x153: {  	v54 =	vsel vm1, v13, v29;
	[tilespmem:s0+$0x6600] =	vst v53  }
0x154: {  	v55 =	vsel vm1, v14, v30;
	[tilespmem:s0+$0x6680] =	vst v54  }
0x155: {  	v56 =	vsel vm1, v15, v31;
	[tilespmem:s0+$0x6700] =	vst v55  }
0x156: {  	v57 =	vsel vm0, v0, v16;
	[tilespmem:s0+$0x6780] =	vst v56  }
0x157: {  	v58 =	vsel vm0, v1, v17;
	[tilespmem:s28+$0x0] =	vst v57  }
0x158: {  	v59 =	vsel vm0, v2, v18;
	[tilespmem:s28+$0x80] =	vst v58  }
0x159: {  	v60 =	vsel vm0, v3, v19;
	[tilespmem:s28+$0x100] =	vst v59  }
0x15a: {  	v61 =	vsel vm0, v4, v20;
	[tilespmem:s28+$0x180] =	vst v60  }
0x15b: {  	v62 =	vsel vm0, v5, v21;
	[tilespmem:s28+$0x200] =	vst v61  }
0x15c: {  	v63 =	vsel vm0, v6, v22;
	v39 =	vsel vm0, v7, v23;
	v37 =	vsel vm0, v8, v24;
	[tilespmem:s28+$0x280] =	vst v62  }
0x15d: {  	v38 =	vsel vm0, v9, v25;
	v35 =	vsel vm0, v10, v26;
	v34 =	vsel vm0, v11, v27;
	[tilespmem:s28+$0x300] =	vst v63  }
0x15e: {  	s3 =	simm.s32 $0xCD0;
	v36 =	vsel vm0, v12, v28;
	s0 =	simm.s32 $0x0;
	v33 =	vsel vm0, v13, v29;
	v32 =	vsel vm0, v14, v30;
	[tilespmem:s28+$0x380] =	vst v39  }
.LBB2_11:
0x15f: {  	v39 =	vld [tilespmem:s3+$0x0];
	s0 =	sadd.s32 $0x2, s0;
	[tilespmem:s28+$0x6400] =	vst v37  }
0x160: {  	v37 =	vld [tilespmem:s3+$0xFFFFFFF0];
	p1 =	slt.u32 s0, $0xC6;
	[tilespmem:s28+$0x6480] =	vst v38  }
0x161: {  	[tilespmem:s28+$0x6500] =	vst v35  }
0x162: {  	s25 =	sadd.s32 $0x100, s25;
	[tilespmem:s28+$0x6580] =	vst v34  }
0x163: {  	s26 =	sadd.s32 $0x20, s26;
	s8 =	sand.u32 $0x7C00, s25;
	[tilespmem:s28+$0x6600] =	vst v36  }
0x164: {  	s13 =	sadd.s32 $0xFFFFFFF0, s26;
	s17 =	sand.u32 $0x70, s26;
	s8 =	sadd.s32 $0xE120, s8;
	vm0 =	veq.s32 v39, $0x0;
	[tilespmem:s28+$0x6680] =	vst v33  }
0x165: {  	s13 =	sand.u32 $0x60, s13;
	vm1 =	veq.s32 v37, $0x0;
	v39 =	vsel vm0, v0, v16;
	v33 =	vsel vm0, v15, v31;
	[tilespmem:s28+$0x6700] =	vst v32;
	s28 =	sadd.s32 s17, s8  }
0x166: {  	s8 =	sadd.s32 s13, s8;
	v32 =	vsel vm1, v0, v16;
	v34 =	vsel vm1, v1, v17;
	v35 =	vsel vm1, v2, v18;
	[tilespmem:s28+$0x6780] =	vst v33  }
0x167: {  	v33 =	vsel vm1, v4, v20;
	v36 =	vsel vm1, v5, v21;
	[tilespmem:s8+$0x0] =	vst v32;
	v32 =	vsel vm1, v3, v19  }
0x168: {  	v38 =	vsel vm1, v7, v23;
	v40 =	vsel vm1, v8, v24;
	[tilespmem:s8+$0x80] =	vst v34;
	v34 =	vsel vm1, v6, v22  }
0x169: {  	v41 =	vsel vm1, v9, v25;
	v42 =	vsel vm1, v10, v26;
	v43 =	vsel vm1, v11, v27;
	[tilespmem:s8+$0x100] =	vst v35  }
0x16a: {  	v44 =	vsel vm1, v12, v28;
	v45 =	vsel vm1, v13, v29;
	v46 =	vsel vm1, v14, v30;
	[tilespmem:s8+$0x180] =	vst v32  }
0x16b: {  	v48 =	vsel vm0, v1, v17;
	v49 =	vsel vm0, v2, v18;
	v47 =	vsel vm1, v15, v31;
	[tilespmem:s8+$0x200] =	vst v33  }
0x16c: {  	v50 =	vsel vm0, v3, v19;
	v51 =	vsel vm0, v4, v20;
	v52 =	vsel vm0, v5, v21;
	[tilespmem:s8+$0x280] =	vst v36  }
0x16d: {  	v53 =	vsel vm0, v6, v22;
	v54 =	vsel vm0, v7, v23;
	v37 =	vsel vm0, v8, v24;
	[tilespmem:s8+$0x300] =	vst v34  }
0x16e: {  	v35 =	vsel vm0, v10, v26;
	v34 =	vsel vm0, v11, v27;
	[tilespmem:s8+$0x380] =	vst v38;
	v38 =	vsel vm0, v9, v25  }
0x16f: {  	v32 =	vsel vm0, v14, v30;
	v33 =	vsel vm0, v13, v29;
	v36 =	vsel vm0, v12, v28;
	[tilespmem:s8+$0x6400] =	vst v40  }
0x170: {  	[tilespmem:s8+$0x6480] =	vst v41  }
0x171: {  	[tilespmem:s8+$0x6500] =	vst v42  }
0x172: {  	[tilespmem:s8+$0x6580] =	vst v43  }
0x173: {  	[tilespmem:s8+$0x6600] =	vst v44  }
0x174: {  	[tilespmem:s8+$0x6680] =	vst v45  }
0x175: {  	[tilespmem:s8+$0x6700] =	vst v46  }
0x176: {  	[tilespmem:s8+$0x6780] =	vst v47  }
0x177: {  	[tilespmem:s28+$0x0] =	vst v39  }
0x178: {  	[tilespmem:s28+$0x80] =	vst v48  }
0x179: {  	[tilespmem:s28+$0x100] =	vst v49  }
.Ltmp7:
0x17a: {  	[tilespmem:s28+$0x180] =	vst v50;
	(pc) =	sbr.rel @p1 .LBB2_11-.Ltmp7, $4  }
0x17b: {  	[tilespmem:s28+$0x200] =	vst v51  }
0x17c: {  	[tilespmem:s28+$0x280] =	vst v52  }
0x17d: {  	[tilespmem:s28+$0x300] =	vst v53  }
0x17e: {  	s3 =	sadd.s32 $0x20, s3;
	[tilespmem:s28+$0x380] =	vst v54  }
0x17f: {  	[tilespmem:s28+$0x6400] =	vst v37  }
0x180: {  	[tilespmem:s28+$0x6480] =	vst v38  }
0x181: {  	[tilespmem:s28+$0x6500] =	vst v35  }
0x182: {  	[tilespmem:s28+$0x6580] =	vst v34  }
0x183: {  	[tilespmem:s28+$0x6600] =	vst v36  }
0x184: {  	[tilespmem:s28+$0x6680] =	vst v33  }
.Ltmp8:
0x185: {  	[tilespmem:s28+$0x6700] =	vst v32;
	(pc) =	sbr.rel .LBB2_13-.Ltmp8, $4  }
0x186: {  	s0 =	rddreg [dreg:$0x4]  }
0x187: {  	[hbm4b:s0+s4] =	stream.linear.scatter [tilespmem:s21], [sflag:$0x2], $0x6400, $0x38;
	[tilespmem:$0x1A920] =	vst v63  }
0x188: {  	_ = 	snop  }
0x189: {  	[hbm4b:s14+s4] =	stream.linear.scatter [tilespmem:s22], [sflag:$0x2], $0x6400, $0x38;
	[tilespmem:$0x1A920] =	vst v63  }
.LBB2_14:
0x18a: {  	_ =	sfence.sel $0x180000  }
0x18b: {  	[bflag:$0x0] =	sbarrier.arrive $0xFFFF  }
0x18c: {  	_ =	strace $0x90000047  }
0x18d: {  	s0 =	stileid.u32;
	[bflag:$0x2] =	sbarrier.arrive $0xFFFF  }
0x18e: {  	p0 =	sne.s32 s0, $0x0;
	s0 =	rddreg [dreg:$0x3]  }
0x18f: {  	s0 =	sadd.s32 @!p0 $0x100000, s0  }
0x190: {  	[sflag:s0] =	ssyncadd.tile.s32 @!p0 $0x1;
	_ =	shalt  }
.Lfunc_end2:
_tile_overlayer_lowered:
.L_overlay_start_2:
0x191: {  	(tag) =	ssettag $0x2  }
0x192: {  	s0 =	rddreg [dreg:$0x0];
	s2 =	stileid.u32  }
0x193: {  	s1 =	rddreg [dreg:$0x1];
	p0 =	sne.s32 s2, $0x0  }
0x194: {  	s3 =	rddreg [dreg:$0x2];
	[bflag:$0x3] =	sbarrier.arrive $0xFFFF;
	s2 =	simm.s32 @!p0 $0x1C03  }
0x195: {  	[timem:s3], [sflag:s2] =	dma.local @!p0 [hbm:s0], s1  }
0x196: {  	s0 =	simm.s32 @!p0 $0x3  }
0x197: {  	_ =	swait.ge @!p0 [sflag:s0], s1  }
0x198: {  	s1 =	ssub.s32 @!p0 $0x0, s1;
	[sflag:s0] =	ssyncset.done @!p0 $0x0  }
0x199: {  	[sflag:s0] =	ssyncadd.s32 @!p0 s1  }
0x19a: {  	[bflag:$0x3] =	sbarrier.arrive $0xFFFF  }
0x19b: {  	_ =	shalt  }

</sc_bundles>
